<compile_context>
chip_gen: v7x
topology: tpu7x:2x2x1
jax: 0.10.2.dev20260603
libtpu: 0.0.44.dev20260713+nightly
codegen_flags: <defaults>
</compile_context>

<pallas_src>
import functools

import jax
import jax.numpy as jnp
from jax import lax
from jax.experimental import pallas as pl
from jax.experimental.pallas import tpu as pltpu
from jax.experimental.pallas import tpu_sc as plsc

_NC = 2
_NS = 16
_NW = _NC * _NS

_W = 128
_C = 128
_NSET = 4
_LAG = _NSET - 1


@functools.lru_cache(maxsize=None)
def _make_gather(n, v, d):
    per_w = n // _NW
    n_sg = per_w // _C
    assert per_w * _NW == n and n_sg * _C == per_w
    assert n_sg % _NSET == 0 and n_sg > _NSET

    mesh = plsc.VectorSubcoreMesh(
        core_axis_name="c", subcore_axis_name="s", num_cores=_NC, num_subcores=_NS
    )

    @functools.partial(
        pl.kernel,
        out_type=jax.ShapeDtypeStruct((n, _W), jnp.float32),
        mesh=mesh,
        compiler_params=pltpu.CompilerParams(use_tc_tiling_on_sc=False),
        scratch_types=[
            pltpu.VMEM((n_sg, _C), jnp.int32),
            pltpu.VMEM((_NSET, _C, _W), jnp.float32),
            [pltpu.SemaphoreType.DMA] * _NSET,
            [pltpu.SemaphoreType.DMA] * _NSET,
        ],
    )
    def gather_kernel(table_hbm, idx_hbm, out_hbm, idx_v, rows_v, gsems, wsems):
        wid = lax.axis_index("s") * _NC + lax.axis_index("c")
        base = wid * per_w
        pltpu.sync_copy(idx_hbm.at[wid], idx_v)

        def issue_gather(g, s):
            pltpu.async_copy(table_hbm.at[idx_v.at[g]], rows_v.at[s], gsems[s])

        def wait_gather(s):
            pltpu.make_async_copy(
                table_hbm.at[idx_v.at[0]], rows_v.at[s], gsems[s]
            ).wait()

        def issue_write(g, s):
            pltpu.async_copy(
                rows_v.at[s, pl.ds(0, _C), pl.ds(0, d)],
                out_hbm.at[pl.ds(base + g * _C, _C), pl.ds(0, d)],
                wsems[s],
            )

        def wait_write(s):
            pltpu.make_async_copy(
                rows_v.at[s, pl.ds(0, _C), pl.ds(0, d)],
                out_hbm.at[pl.ds(base, _C), pl.ds(0, d)],
                wsems[s],
            ).wait()

        for s in range(_LAG):
            issue_gather(s, s)

        def group(j, carry):
            for u in range(_NSET):
                sg = j * _NSET + u
                wait_gather(u)
                issue_write(sg, u)
                t = sg + _LAG
                s_t = (u + _LAG) % _NSET
                if u == 0:
                    @pl.when((t < n_sg) & (sg >= 1))
                    def _ww():
                        wait_write(s_t)
                else:
                    @pl.when(t < n_sg)
                    def _ww():
                        wait_write(s_t)

                @pl.when(t < n_sg)
                def _ig():
                    issue_gather(t, s_t)

            return carry

        lax.fori_loop(0, n_sg // _NSET, group, 0)
        for u in range(_NSET):
            wait_write(u)

    return gather_kernel


def kernel(x, table):
    b, l = x.shape
    v, d = table.shape
    n = b * l
    per_w = n // _NW
    table_p = jnp.pad(table, ((0, 0), (0, _W - d)))
    idx = x.reshape(_NW, per_w // _C, _C)
    out_p = _make_gather(n, v, d)(table_p, idx)
    return out_p[:, :d].reshape(b, l, d)

# --- scband reference (transcript-rebuilt; emitter-appended) ---
"""Pipeline reference for scband-embedding-62345745268820 (READ-ONLY COPY).

The authoritative reference and input builder live on the scoring server;
editing this copy changes nothing except your own understanding.
"""

import jax, jax.numpy as jnp
import numpy as np

VOCAB = 1000000
DIM = 64
B = 4096
L = 200

def setup_inputs(seed: int = 0) -> dict:
    key = jax.random.key(seed)
    k1, k2 = jax.random.split(key)
    x = jax.random.randint(k1, (B, L), 0, VOCAB, dtype=jnp.int64 if jax.config.jax_enable_x64 else jnp.int32).astype(jnp.int32)
    table = jax.random.normal(k2, (VOCAB, DIM), dtype=jnp.float32)
    # padding_idx=0: row 0 is zero (as in nn.Embedding padding_idx init)
    table = table.at[0].set(0.0)
    return {"x": x, "table": table}

def reference(x, table):
    # nn.Embedding with padding_idx=0: lookup; row 0 is the (zero) padding vector
    t = table.at[0].set(0.0)
    return jnp.take(t, x, axis=0)

if __name__ == "__main__":
    import jax
    _d = setup_inputs()
    print(jax.jit(kernel)(*tuple(_d.values())))

</pallas_src>

<mosaic_0001>
#map = affine_map<(d0, d1) -> (0, 0)>
#map1 = affine_map<(d0, d1) -> (0, 0, 0)>
module attributes {stable_mosaic.version = 14 : i64} {
  func.func @gather_kernel(%arg0: i32, %arg1: i32, %arg2: memref<1000000x128xf32, #tpu.memory_space<hbm>>, %arg3: memref<32x200x128xi32, #tpu.memory_space<hbm>>, %arg4: memref<819200x128xf32, #tpu.memory_space<hbm>>, %arg5: memref<200x128xi32, #tpu.memory_space<vmem>>, %arg6: memref<4x128x128xf32, #tpu.memory_space<vmem>>, %arg7: memref<!tpu.dma_semaphore, #tpu.memory_space<semaphore_mem>>, %arg8: memref<!tpu.dma_semaphore, #tpu.memory_space<semaphore_mem>>, %arg9: memref<!tpu.dma_semaphore, #tpu.memory_space<semaphore_mem>>, %arg10: memref<!tpu.dma_semaphore, #tpu.memory_space<semaphore_mem>>, %arg11: memref<!tpu.dma_semaphore, #tpu.memory_space<semaphore_mem>>, %arg12: memref<!tpu.dma_semaphore, #tpu.memory_space<semaphore_mem>>, %arg13: memref<!tpu.dma_semaphore, #tpu.memory_space<semaphore_mem>>, %arg14: memref<!tpu.dma_semaphore, #tpu.memory_space<semaphore_mem>>) attributes {dimension_semantics = [#tpu.dimension_semantics<core_parallel>, #tpu.dimension_semantics<subcore_parallel>], iteration_bounds = array<i64: 2, 16>, scalar_prefetch = 0 : i64, scratch_operands = 10 : i64, tpu.core_type = #tpu.core_type<sc_vector_subcore>, window_params = [{transform_indices = #map}, {transform_indices = #map1}, {transform_indices = #map}]} {
    %mul3A = arith.constant 2 : i32
    %mul3A_0 = arith.muli %arg1, %mul3A : i32
    %add3A = arith.addi %mul3A_0, %arg0 : i32
    %mul3A_1 = arith.constant 25600 : i32
    %mul3A_2 = arith.muli %add3A, %mul3A_1 : i32
    "tpu.region"() ({
      %run_scoped3A = tpu.sem_alloc : memref<!tpu.dma_semaphore, #tpu.memory_space<semaphore_mem>>
      %dma_start3A_94 = arith.constant 0 : i32
      %dma_start3A_95 = arith.constant 0 : i32
      %dma_start3A_96 = tpu.memref_slice %arg3[%add3A, %dma_start3A_94, %dma_start3A_95] : memref<32x200x128xi32, #tpu.memory_space<hbm>> -> memref<1x200x128xi32, #tpu.memory_space<hbm>>
      %dma_start3A_97 = tpu.memref_squeeze %dma_start3A_96 : memref<1x200x128xi32, #tpu.memory_space<hbm>> -> memref<200x128xi32, #tpu.memory_space<hbm>>
      %dma_start3A_98 = arith.constant 0 : i32
      %dma_start3A_99 = arith.constant 0 : i32
      %dma_start3A_100 = tpu.memref_slice %arg3[%add3A, %dma_start3A_98, %dma_start3A_99] : memref<32x200x128xi32, #tpu.memory_space<hbm>> -> memref<1x200x128xi32, #tpu.memory_space<hbm>>
      %dma_start3A_101 = tpu.memref_squeeze %dma_start3A_100 : memref<1x200x128xi32, #tpu.memory_space<hbm>> -> memref<200x128xi32, #tpu.memory_space<hbm>>
      tpu.enqueue_dma source(%dma_start3A_101 : memref<200x128xi32, #tpu.memory_space<hbm>>) target(%arg5 : memref<200x128xi32, #tpu.memory_space<vmem>>) target_semaphore(%run_scoped3A : memref<!tpu.dma_semaphore, #tpu.memory_space<semaphore_mem>>)
      %dma_wait3A_102 = arith.constant 0 : i32
      %dma_wait3A_103 = arith.constant 0 : i32
      %dma_wait3A_104 = tpu.memref_slice %arg3[%add3A, %dma_wait3A_102, %dma_wait3A_103] : memref<32x200x128xi32, #tpu.memory_space<hbm>> -> memref<1x200x128xi32, #tpu.memory_space<hbm>>
      %dma_wait3A_105 = tpu.memref_squeeze %dma_wait3A_104 : memref<1x200x128xi32, #tpu.memory_space<hbm>> -> memref<200x128xi32, #tpu.memory_space<hbm>>
      %dma_wait3A_106 = arith.constant 0 : i32
      %dma_wait3A_107 = arith.constant 0 : i32
      %dma_wait3A_108 = tpu.memref_slice %arg3[%add3A, %dma_wait3A_106, %dma_wait3A_107] : memref<32x200x128xi32, #tpu.memory_space<hbm>> -> memref<1x200x128xi32, #tpu.memory_space<hbm>>
      %dma_wait3A_109 = tpu.memref_squeeze %dma_wait3A_108 : memref<1x200x128xi32, #tpu.memory_space<hbm>> -> memref<200x128xi32, #tpu.memory_space<hbm>>
      tpu.wait_dma2 semaphore(%run_scoped3A : memref<!tpu.dma_semaphore, #tpu.memory_space<semaphore_mem>>) src(%dma_wait3A_109 : memref<200x128xi32, #tpu.memory_space<hbm>>) dst(%arg5 : memref<200x128xi32, #tpu.memory_space<vmem>>)
      tpu.yield
    }) : () -> ()
    %dma_start3A = arith.constant 0 : i32
    %dma_start3A_3 = arith.constant 0 : i32
    %dma_start3A_4 = arith.constant 0 : i32
    %dma_start3A_5 = arith.constant 0 : i32
    %dma_start3A_6 = tpu.memref_slice %arg6[%dma_start3A_3, %dma_start3A_4, %dma_start3A_5] : memref<4x128x128xf32, #tpu.memory_space<vmem>> -> memref<1x128x128xf32, #tpu.memory_space<vmem>>
    %dma_start3A_7 = tpu.memref_squeeze %dma_start3A_6 : memref<1x128x128xf32, #tpu.memory_space<vmem>> -> memref<128x128xf32, #tpu.memory_space<vmem>>
    %dma_start3A_8 = arith.constant 0 : i32
    %dma_start3A_9 = tpu.memref_slice %arg5[%dma_start3A, %dma_start3A_8] : memref<200x128xi32, #tpu.memory_space<vmem>> -> memref<1x128xi32, #tpu.memory_space<vmem>>
    %dma_start3A_10 = tpu.memref_squeeze %dma_start3A_9 : memref<1x128xi32, #tpu.memory_space<vmem>> -> memref<128xi32, #tpu.memory_space<vmem>>
    %dma_start3A_11 = arith.constant 0 : i32
    %dma_start3A_12 = arith.constant 0 : i32
    %dma_start3A_13 = tpu.memref_slice %arg2[%dma_start3A_11, %dma_start3A_12] : memref<1000000x128xf32, #tpu.memory_space<hbm>> -> memref<1000000x128xf32, #tpu.memory_space<hbm>>
    tpu.enqueue_indirect_dma source(%dma_start3A_13 : memref<1000000x128xf32, #tpu.memory_space<hbm>>) target(%dma_start3A_7 : memref<128x128xf32, #tpu.memory_space<vmem>>) offsets(%dma_start3A_10 : memref<128xi32, #tpu.memory_space<vmem>>) semaphore(%arg7 : memref<!tpu.dma_semaphore, #tpu.memory_space<semaphore_mem>>)
    %dma_start3A_14 = arith.constant 1 : i32
    %dma_start3A_15 = arith.constant 1 : i32
    %dma_start3A_16 = arith.constant 0 : i32
    %dma_start3A_17 = arith.constant 0 : i32
    %dma_start3A_18 = tpu.memref_slice %arg6[%dma_start3A_15, %dma_start3A_16, %dma_start3A_17] : memref<4x128x128xf32, #tpu.memory_space<vmem>> -> memref<1x128x128xf32, #tpu.memory_space<vmem>>
    %dma_start3A_19 = tpu.memref_squeeze %dma_start3A_18 : memref<1x128x128xf32, #tpu.memory_space<vmem>> -> memref<128x128xf32, #tpu.memory_space<vmem>>
    %dma_start3A_20 = arith.constant 0 : i32
    %dma_start3A_21 = tpu.memref_slice %arg5[%dma_start3A_14, %dma_start3A_20] : memref<200x128xi32, #tpu.memory_space<vmem>> -> memref<1x128xi32, #tpu.memory_space<vmem>>
    %dma_start3A_22 = tpu.memref_squeeze %dma_start3A_21 : memref<1x128xi32, #tpu.memory_space<vmem>> -> memref<128xi32, #tpu.memory_space<vmem>>
    %dma_start3A_23 = arith.constant 0 : i32
    %dma_start3A_24 = arith.constant 0 : i32
    %dma_start3A_25 = tpu.memref_slice %arg2[%dma_start3A_23, %dma_start3A_24] : memref<1000000x128xf32, #tpu.memory_space<hbm>> -> memref<1000000x128xf32, #tpu.memory_space<hbm>>
    tpu.enqueue_indirect_dma source(%dma_start3A_25 : memref<1000000x128xf32, #tpu.memory_space<hbm>>) target(%dma_start3A_19 : memref<128x128xf32, #tpu.memory_space<vmem>>) offsets(%dma_start3A_22 : memref<128xi32, #tpu.memory_space<vmem>>) semaphore(%arg8 : memref<!tpu.dma_semaphore, #tpu.memory_space<semaphore_mem>>)
    %dma_start3A_26 = arith.constant 2 : i32
    %dma_start3A_27 = arith.constant 2 : i32
    %dma_start3A_28 = arith.constant 0 : i32
    %dma_start3A_29 = arith.constant 0 : i32
    %dma_start3A_30 = tpu.memref_slice %arg6[%dma_start3A_27, %dma_start3A_28, %dma_start3A_29] : memref<4x128x128xf32, #tpu.memory_space<vmem>> -> memref<1x128x128xf32, #tpu.memory_space<vmem>>
    %dma_start3A_31 = tpu.memref_squeeze %dma_start3A_30 : memref<1x128x128xf32, #tpu.memory_space<vmem>> -> memref<128x128xf32, #tpu.memory_space<vmem>>
    %dma_start3A_32 = arith.constant 0 : i32
    %dma_start3A_33 = tpu.memref_slice %arg5[%dma_start3A_26, %dma_start3A_32] : memref<200x128xi32, #tpu.memory_space<vmem>> -> memref<1x128xi32, #tpu.memory_space<vmem>>
    %dma_start3A_34 = tpu.memref_squeeze %dma_start3A_33 : memref<1x128xi32, #tpu.memory_space<vmem>> -> memref<128xi32, #tpu.memory_space<vmem>>
    %dma_start3A_35 = arith.constant 0 : i32
    %dma_start3A_36 = arith.constant 0 : i32
    %dma_start3A_37 = tpu.memref_slice %arg2[%dma_start3A_35, %dma_start3A_36] : memref<1000000x128xf32, #tpu.memory_space<hbm>> -> memref<1000000x128xf32, #tpu.memory_space<hbm>>
    tpu.enqueue_indirect_dma source(%dma_start3A_37 : memref<1000000x128xf32, #tpu.memory_space<hbm>>) target(%dma_start3A_31 : memref<128x128xf32, #tpu.memory_space<vmem>>) offsets(%dma_start3A_34 : memref<128xi32, #tpu.memory_space<vmem>>) semaphore(%arg9 : memref<!tpu.dma_semaphore, #tpu.memory_space<semaphore_mem>>)
    %scan3A = arith.constant 0 : i32
    %scan3A_38 = arith.constant 0 : i32
    %scan3A_39 = arith.constant 50 : i32
    %scan3A_40 = arith.addi %scan3A_38, %scan3A_39 : i32
    %scan3A_41 = arith.constant 1 : i32
    scf.for %scan3A_94 = %scan3A_38 to %scan3A_40 step %scan3A_41  : i32 {
      %mul3A_95 = arith.constant 4 : i32
      %mul3A_96 = arith.muli %scan3A_94, %mul3A_95 : i32
      %add3A_97 = arith.constant 0 : i32
      %add3A_98 = arith.addi %mul3A_96, %add3A_97 : i32
      %dma_wait3A_99 = arith.constant 0 : i32
      %dma_wait3A_100 = arith.constant 0 : i32
      %dma_wait3A_101 = arith.constant 0 : i32
      %dma_wait3A_102 = arith.constant 0 : i32
      %dma_wait3A_103 = tpu.memref_slice %arg6[%dma_wait3A_100, %dma_wait3A_101, %dma_wait3A_102] : memref<4x128x128xf32, #tpu.memory_space<vmem>> -> memref<1x128x128xf32, #tpu.memory_space<vmem>>
      %dma_wait3A_104 = tpu.memref_squeeze %dma_wait3A_103 : memref<1x128x128xf32, #tpu.memory_space<vmem>> -> memref<128x128xf32, #tpu.memory_space<vmem>>
      %dma_wait3A_105 = arith.constant 0 : i32
      %dma_wait3A_106 = tpu.memref_slice %arg5[%dma_wait3A_99, %dma_wait3A_105] : memref<200x128xi32, #tpu.memory_space<vmem>> -> memref<1x128xi32, #tpu.memory_space<vmem>>
      %dma_wait3A_107 = tpu.memref_squeeze %dma_wait3A_106 : memref<1x128xi32, #tpu.memory_space<vmem>> -> memref<128xi32, #tpu.memory_space<vmem>>
      %dma_wait3A_108 = arith.constant 0 : i32
      %dma_wait3A_109 = arith.constant 0 : i32
      %dma_wait3A_110 = tpu.memref_slice %arg2[%dma_wait3A_108, %dma_wait3A_109] : memref<1000000x128xf32, #tpu.memory_space<hbm>> -> memref<1000000x128xf32, #tpu.memory_space<hbm>>
      tpu.wait_indirect_dma semaphore(%arg7 : memref<!tpu.dma_semaphore, #tpu.memory_space<semaphore_mem>>) src(%dma_wait3A_110 : memref<1000000x128xf32, #tpu.memory_space<hbm>>) dst(%dma_wait3A_104 : memref<128x128xf32, #tpu.memory_space<vmem>>)
      %mul3A_111 = arith.constant 128 : i32
      %mul3A_112 = arith.muli %add3A_98, %mul3A_111 : i32
      %add3A_113 = arith.addi %mul3A_2, %mul3A_112 : i32
      %dma_start3A_114 = arith.constant 0 : i32
      %dma_start3A_115 = arith.constant 0 : i32
      %dma_start3A_116 = arith.constant 0 : i32
      %dma_start3A_117 = tpu.memref_slice %arg6[%dma_start3A_114, %dma_start3A_115, %dma_start3A_116] : memref<4x128x128xf32, #tpu.memory_space<vmem>> -> memref<1x128x64xf32, #tpu.memory_space<vmem>>
      %dma_start3A_118 = tpu.memref_squeeze %dma_start3A_117 : memref<1x128x64xf32, #tpu.memory_space<vmem>> -> memref<128x64xf32, #tpu.memory_space<vmem>>
      %dma_start3A_119 = arith.constant 0 : i32
      %dma_start3A_120 = tpu.memref_slice %arg4[%add3A_113, %dma_start3A_119] : memref<819200x128xf32, #tpu.memory_space<hbm>> -> memref<128x64xf32, #tpu.memory_space<hbm>>
      %dma_start3A_121 = arith.constant 0 : i32
      %dma_start3A_122 = tpu.memref_slice %arg4[%add3A_113, %dma_start3A_121] : memref<819200x128xf32, #tpu.memory_space<hbm>> -> memref<128x64xf32, #tpu.memory_space<hbm>>
      %dma_start3A_123 = arith.constant 0 : i32
      %dma_start3A_124 = arith.constant 0 : i32
      %dma_start3A_125 = tpu.memref_slice %arg6[%dma_start3A_114, %dma_start3A_123, %dma_start3A_124] : memref<4x128x128xf32, #tpu.memory_space<vmem>> -> memref<1x128x64xf32, #tpu.memory_space<vmem>>
      %dma_start3A_126 = tpu.memref_squeeze %dma_start3A_125 : memref<1x128x64xf32, #tpu.memory_space<vmem>> -> memref<128x64xf32, #tpu.memory_space<vmem>>
      tpu.enqueue_dma source(%dma_start3A_126 : memref<128x64xf32, #tpu.memory_space<vmem>>) target(%dma_start3A_122 : memref<128x64xf32, #tpu.memory_space<hbm>>) target_semaphore(%arg11 : memref<!tpu.dma_semaphore, #tpu.memory_space<semaphore_mem>>)
      %add3A_127 = arith.constant 3 : i32
      %add3A_128 = arith.addi %add3A_98, %add3A_127 : i32
      %lt3A = arith.constant 200 : i32
      %lt3A_129 = arith.cmpi slt, %add3A_128, %lt3A : i32
      %ge3A = arith.constant 1 : i32
      %ge3A_130 = arith.cmpi sge, %add3A_98, %ge3A : i32
      %and3A = arith.andi %lt3A_129, %ge3A_130 : i1
      %convert_element_type3A = arith.extui %and3A : i1 to i32
      %cond3A = arith.constant 0 : i32
      %cond3A_131 = arith.cmpi ne, %convert_element_type3A, %cond3A : i32
      scf.if %cond3A_131 {
        %dma_wait3A_269 = arith.constant 3 : i32
        %dma_wait3A_270 = arith.constant 0 : i32
        %dma_wait3A_271 = arith.constant 0 : i32
        %dma_wait3A_272 = tpu.memref_slice %arg6[%dma_wait3A_269, %dma_wait3A_270, %dma_wait3A_271] : memref<4x128x128xf32, #tpu.memory_space<vmem>> -> memref<1x128x64xf32, #tpu.memory_space<vmem>>
        %dma_wait3A_273 = tpu.memref_squeeze %dma_wait3A_272 : memref<1x128x64xf32, #tpu.memory_space<vmem>> -> memref<128x64xf32, #tpu.memory_space<vmem>>
        %dma_wait3A_274 = arith.constant 0 : i32
        %dma_wait3A_275 = tpu.memref_slice %arg4[%mul3A_2, %dma_wait3A_274] : memref<819200x128xf32, #tpu.memory_space<hbm>> -> memref<128x64xf32, #tpu.memory_space<hbm>>
        %dma_wait3A_276 = arith.constant 0 : i32
        %dma_wait3A_277 = tpu.memref_slice %arg4[%mul3A_2, %dma_wait3A_276] : memref<819200x128xf32, #tpu.memory_space<hbm>> -> memref<128x64xf32, #tpu.memory_space<hbm>>
        %dma_wait3A_278 = arith.constant 0 : i32
        %dma_wait3A_279 = arith.constant 0 : i32
        %dma_wait3A_280 = tpu.memref_slice %arg6[%dma_wait3A_269, %dma_wait3A_278, %dma_wait3A_279] : memref<4x128x128xf32, #tpu.memory_space<vmem>> -> memref<1x128x64xf32, #tpu.memory_space<vmem>>
        %dma_wait3A_281 = tpu.memref_squeeze %dma_wait3A_280 : memref<1x128x64xf32, #tpu.memory_space<vmem>> -> memref<128x64xf32, #tpu.memory_space<vmem>>
        tpu.wait_dma2 semaphore(%arg14 : memref<!tpu.dma_semaphore, #tpu.memory_space<semaphore_mem>>) src(%dma_wait3A_281 : memref<128x64xf32, #tpu.memory_space<vmem>>) dst(%dma_wait3A_277 : memref<128x64xf32, #tpu.memory_space<hbm>>)
      } else {
      }
      %lt3A_132 = arith.constant 200 : i32
      %lt3A_133 = arith.cmpi slt, %add3A_128, %lt3A_132 : i32
      %convert_element_type3A_134 = arith.extui %lt3A_133 : i1 to i32
      %cond3A_135 = arith.constant 0 : i32
      %cond3A_136 = arith.cmpi ne, %convert_element_type3A_134, %cond3A_135 : i32
      scf.if %cond3A_136 {
        %dma_start3A_269 = arith.constant 3 : i32
        %dma_start3A_270 = arith.constant 0 : i32
        %dma_start3A_271 = arith.constant 0 : i32
        %dma_start3A_272 = tpu.memref_slice %arg6[%dma_start3A_269, %dma_start3A_270, %dma_start3A_271] : memref<4x128x128xf32, #tpu.memory_space<vmem>> -> memref<1x128x128xf32, #tpu.memory_space<vmem>>
        %dma_start3A_273 = tpu.memref_squeeze %dma_start3A_272 : memref<1x128x128xf32, #tpu.memory_space<vmem>> -> memref<128x128xf32, #tpu.memory_space<vmem>>
        %dma_start3A_274 = arith.constant 0 : i32
        %dma_start3A_275 = tpu.memref_slice %arg5[%add3A_128, %dma_start3A_274] : memref<200x128xi32, #tpu.memory_space<vmem>> -> memref<1x128xi32, #tpu.memory_space<vmem>>
        %dma_start3A_276 = tpu.memref_squeeze %dma_start3A_275 : memref<1x128xi32, #tpu.memory_space<vmem>> -> memref<128xi32, #tpu.memory_space<vmem>>
        %dma_start3A_277 = arith.constant 0 : i32
        %dma_start3A_278 = arith.constant 0 : i32
        %dma_start3A_279 = tpu.memref_slice %arg2[%dma_start3A_277, %dma_start3A_278] : memref<1000000x128xf32, #tpu.memory_space<hbm>> -> memref<1000000x128xf32, #tpu.memory_space<hbm>>
        tpu.enqueue_indirect_dma source(%dma_start3A_279 : memref<1000000x128xf32, #tpu.memory_space<hbm>>) target(%dma_start3A_273 : memref<128x128xf32, #tpu.memory_space<vmem>>) offsets(%dma_start3A_276 : memref<128xi32, #tpu.memory_space<vmem>>) semaphore(%arg10 : memref<!tpu.dma_semaphore, #tpu.memory_space<semaphore_mem>>)
      } else {
      }
      %mul3A_137 = arith.constant 4 : i32
      %mul3A_138 = arith.muli %scan3A_94, %mul3A_137 : i32
      %add3A_139 = arith.constant 1 : i32
      %add3A_140 = arith.addi %mul3A_138, %add3A_139 : i32
      %dma_wait3A_141 = arith.constant 0 : i32
      %dma_wait3A_142 = arith.constant 1 : i32
      %dma_wait3A_143 = arith.constant 0 : i32
      %dma_wait3A_144 = arith.constant 0 : i32
      %dma_wait3A_145 = tpu.memref_slice %arg6[%dma_wait3A_142, %dma_wait3A_143, %dma_wait3A_144] : memref<4x128x128xf32, #tpu.memory_space<vmem>> -> memref<1x128x128xf32, #tpu.memory_space<vmem>>
      %dma_wait3A_146 = tpu.memref_squeeze %dma_wait3A_145 : memref<1x128x128xf32, #tpu.memory_space<vmem>> -> memref<128x128xf32, #tpu.memory_space<vmem>>
      %dma_wait3A_147 = arith.constant 0 : i32
      %dma_wait3A_148 = tpu.memref_slice %arg5[%dma_wait3A_141, %dma_wait3A_147] : memref<200x128xi32, #tpu.memory_space<vmem>> -> memref<1x128xi32, #tpu.memory_space<vmem>>
      %dma_wait3A_149 = tpu.memref_squeeze %dma_wait3A_148 : memref<1x128xi32, #tpu.memory_space<vmem>> -> memref<128xi32, #tpu.memory_space<vmem>>
      %dma_wait3A_150 = arith.constant 0 : i32
      %dma_wait3A_151 = arith.constant 0 : i32
      %dma_wait3A_152 = tpu.memref_slice %arg2[%dma_wait3A_150, %dma_wait3A_151] : memref<1000000x128xf32, #tpu.memory_space<hbm>> -> memref<1000000x128xf32, #tpu.memory_space<hbm>>
      tpu.wait_indirect_dma semaphore(%arg8 : memref<!tpu.dma_semaphore, #tpu.memory_space<semaphore_mem>>) src(%dma_wait3A_152 : memref<1000000x128xf32, #tpu.memory_space<hbm>>) dst(%dma_wait3A_146 : memref<128x128xf32, #tpu.memory_space<vmem>>)
      %mul3A_153 = arith.constant 128 : i32
      %mul3A_154 = arith.muli %add3A_140, %mul3A_153 : i32
      %add3A_155 = arith.addi %mul3A_2, %mul3A_154 : i32
      %dma_start3A_156 = arith.constant 1 : i32
      %dma_start3A_157 = arith.constant 0 : i32
      %dma_start3A_158 = arith.constant 0 : i32
      %dma_start3A_159 = tpu.memref_slice %arg6[%dma_start3A_156, %dma_start3A_157, %dma_start3A_158] : memref<4x128x128xf32, #tpu.memory_space<vmem>> -> memref<1x128x64xf32, #tpu.memory_space<vmem>>
      %dma_start3A_160 = tpu.memref_squeeze %dma_start3A_159 : memref<1x128x64xf32, #tpu.memory_space<vmem>> -> memref<128x64xf32, #tpu.memory_space<vmem>>
      %dma_start3A_161 = arith.constant 0 : i32
      %dma_start3A_162 = tpu.memref_slice %arg4[%add3A_155, %dma_start3A_161] : memref<819200x128xf32, #tpu.memory_space<hbm>> -> memref<128x64xf32, #tpu.memory_space<hbm>>
      %dma_start3A_163 = arith.constant 0 : i32
      %dma_start3A_164 = tpu.memref_slice %arg4[%add3A_155, %dma_start3A_163] : memref<819200x128xf32, #tpu.memory_space<hbm>> -> memref<128x64xf32, #tpu.memory_space<hbm>>
      %dma_start3A_165 = arith.constant 0 : i32
      %dma_start3A_166 = arith.constant 0 : i32
      %dma_start3A_167 = tpu.memref_slice %arg6[%dma_start3A_156, %dma_start3A_165, %dma_start3A_166] : memref<4x128x128xf32, #tpu.memory_space<vmem>> -> memref<1x128x64xf32, #tpu.memory_space<vmem>>
      %dma_start3A_168 = tpu.memref_squeeze %dma_start3A_167 : memref<1x128x64xf32, #tpu.memory_space<vmem>> -> memref<128x64xf32, #tpu.memory_space<vmem>>
      tpu.enqueue_dma source(%dma_start3A_168 : memref<128x64xf32, #tpu.memory_space<vmem>>) target(%dma_start3A_164 : memref<128x64xf32, #tpu.memory_space<hbm>>) target_semaphore(%arg12 : memref<!tpu.dma_semaphore, #tpu.memory_space<semaphore_mem>>)
      %add3A_169 = arith.constant 3 : i32
      %add3A_170 = arith.addi %add3A_140, %add3A_169 : i32
      %lt3A_171 = arith.constant 200 : i32
      %lt3A_172 = arith.cmpi slt, %add3A_170, %lt3A_171 : i32
      %convert_element_type3A_173 = arith.extui %lt3A_172 : i1 to i32
      %cond3A_174 = arith.constant 0 : i32
      %cond3A_175 = arith.cmpi ne, %convert_element_type3A_173, %cond3A_174 : i32
      scf.if %cond3A_175 {
        %dma_wait3A_269 = arith.constant 0 : i32
        %dma_wait3A_270 = arith.constant 0 : i32
        %dma_wait3A_271 = arith.constant 0 : i32
        %dma_wait3A_272 = tpu.memref_slice %arg6[%dma_wait3A_269, %dma_wait3A_270, %dma_wait3A_271] : memref<4x128x128xf32, #tpu.memory_space<vmem>> -> memref<1x128x64xf32, #tpu.memory_space<vmem>>
        %dma_wait3A_273 = tpu.memref_squeeze %dma_wait3A_272 : memref<1x128x64xf32, #tpu.memory_space<vmem>> -> memref<128x64xf32, #tpu.memory_space<vmem>>
        %dma_wait3A_274 = arith.constant 0 : i32
        %dma_wait3A_275 = tpu.memref_slice %arg4[%mul3A_2, %dma_wait3A_274] : memref<819200x128xf32, #tpu.memory_space<hbm>> -> memref<128x64xf32, #tpu.memory_space<hbm>>
        %dma_wait3A_276 = arith.constant 0 : i32
        %dma_wait3A_277 = tpu.memref_slice %arg4[%mul3A_2, %dma_wait3A_276] : memref<819200x128xf32, #tpu.memory_space<hbm>> -> memref<128x64xf32, #tpu.memory_space<hbm>>
        %dma_wait3A_278 = arith.constant 0 : i32
        %dma_wait3A_279 = arith.constant 0 : i32
        %dma_wait3A_280 = tpu.memref_slice %arg6[%dma_wait3A_269, %dma_wait3A_278, %dma_wait3A_279] : memref<4x128x128xf32, #tpu.memory_space<vmem>> -> memref<1x128x64xf32, #tpu.memory_space<vmem>>
        %dma_wait3A_281 = tpu.memref_squeeze %dma_wait3A_280 : memref<1x128x64xf32, #tpu.memory_space<vmem>> -> memref<128x64xf32, #tpu.memory_space<vmem>>
        tpu.wait_dma2 semaphore(%arg11 : memref<!tpu.dma_semaphore, #tpu.memory_space<semaphore_mem>>) src(%dma_wait3A_281 : memref<128x64xf32, #tpu.memory_space<vmem>>) dst(%dma_wait3A_277 : memref<128x64xf32, #tpu.memory_space<hbm>>)
      } else {
      }
      %lt3A_176 = arith.constant 200 : i32
      %lt3A_177 = arith.cmpi slt, %add3A_170, %lt3A_176 : i32
      %convert_element_type3A_178 = arith.extui %lt3A_177 : i1 to i32
      %cond3A_179 = arith.constant 0 : i32
      %cond3A_180 = arith.cmpi ne, %convert_element_type3A_178, %cond3A_179 : i32
      scf.if %cond3A_180 {
        %dma_start3A_269 = arith.constant 0 : i32
        %dma_start3A_270 = arith.constant 0 : i32
        %dma_start3A_271 = arith.constant 0 : i32
        %dma_start3A_272 = tpu.memref_slice %arg6[%dma_start3A_269, %dma_start3A_270, %dma_start3A_271] : memref<4x128x128xf32, #tpu.memory_space<vmem>> -> memref<1x128x128xf32, #tpu.memory_space<vmem>>
        %dma_start3A_273 = tpu.memref_squeeze %dma_start3A_272 : memref<1x128x128xf32, #tpu.memory_space<vmem>> -> memref<128x128xf32, #tpu.memory_space<vmem>>
        %dma_start3A_274 = arith.constant 0 : i32
        %dma_start3A_275 = tpu.memref_slice %arg5[%add3A_170, %dma_start3A_274] : memref<200x128xi32, #tpu.memory_space<vmem>> -> memref<1x128xi32, #tpu.memory_space<vmem>>
        %dma_start3A_276 = tpu.memref_squeeze %dma_start3A_275 : memref<1x128xi32, #tpu.memory_space<vmem>> -> memref<128xi32, #tpu.memory_space<vmem>>
        %dma_start3A_277 = arith.constant 0 : i32
        %dma_start3A_278 = arith.constant 0 : i32
        %dma_start3A_279 = tpu.memref_slice %arg2[%dma_start3A_277, %dma_start3A_278] : memref<1000000x128xf32, #tpu.memory_space<hbm>> -> memref<1000000x128xf32, #tpu.memory_space<hbm>>
        tpu.enqueue_indirect_dma source(%dma_start3A_279 : memref<1000000x128xf32, #tpu.memory_space<hbm>>) target(%dma_start3A_273 : memref<128x128xf32, #tpu.memory_space<vmem>>) offsets(%dma_start3A_276 : memref<128xi32, #tpu.memory_space<vmem>>) semaphore(%arg7 : memref<!tpu.dma_semaphore, #tpu.memory_space<semaphore_mem>>)
      } else {
      }
      %mul3A_181 = arith.constant 4 : i32
      %mul3A_182 = arith.muli %scan3A_94, %mul3A_181 : i32
      %add3A_183 = arith.constant 2 : i32
      %add3A_184 = arith.addi %mul3A_182, %add3A_183 : i32
      %dma_wait3A_185 = arith.constant 0 : i32
      %dma_wait3A_186 = arith.constant 2 : i32
      %dma_wait3A_187 = arith.constant 0 : i32
      %dma_wait3A_188 = arith.constant 0 : i32
      %dma_wait3A_189 = tpu.memref_slice %arg6[%dma_wait3A_186, %dma_wait3A_187, %dma_wait3A_188] : memref<4x128x128xf32, #tpu.memory_space<vmem>> -> memref<1x128x128xf32, #tpu.memory_space<vmem>>
      %dma_wait3A_190 = tpu.memref_squeeze %dma_wait3A_189 : memref<1x128x128xf32, #tpu.memory_space<vmem>> -> memref<128x128xf32, #tpu.memory_space<vmem>>
      %dma_wait3A_191 = arith.constant 0 : i32
      %dma_wait3A_192 = tpu.memref_slice %arg5[%dma_wait3A_185, %dma_wait3A_191] : memref<200x128xi32, #tpu.memory_space<vmem>> -> memref<1x128xi32, #tpu.memory_space<vmem>>
      %dma_wait3A_193 = tpu.memref_squeeze %dma_wait3A_192 : memref<1x128xi32, #tpu.memory_space<vmem>> -> memref<128xi32, #tpu.memory_space<vmem>>
      %dma_wait3A_194 = arith.constant 0 : i32
      %dma_wait3A_195 = arith.constant 0 : i32
      %dma_wait3A_196 = tpu.memref_slice %arg2[%dma_wait3A_194, %dma_wait3A_195] : memref<1000000x128xf32, #tpu.memory_space<hbm>> -> memref<1000000x128xf32, #tpu.memory_space<hbm>>
      tpu.wait_indirect_dma semaphore(%arg9 : memref<!tpu.dma_semaphore, #tpu.memory_space<semaphore_mem>>) src(%dma_wait3A_196 : memref<1000000x128xf32, #tpu.memory_space<hbm>>) dst(%dma_wait3A_190 : memref<128x128xf32, #tpu.memory_space<vmem>>)
      %mul3A_197 = arith.constant 128 : i32
      %mul3A_198 = arith.muli %add3A_184, %mul3A_197 : i32
      %add3A_199 = arith.addi %mul3A_2, %mul3A_198 : i32
      %dma_start3A_200 = arith.constant 2 : i32
      %dma_start3A_201 = arith.constant 0 : i32
      %dma_start3A_202 = arith.constant 0 : i32
      %dma_start3A_203 = tpu.memref_slice %arg6[%dma_start3A_200, %dma_start3A_201, %dma_start3A_202] : memref<4x128x128xf32, #tpu.memory_space<vmem>> -> memref<1x128x64xf32, #tpu.memory_space<vmem>>
      %dma_start3A_204 = tpu.memref_squeeze %dma_start3A_203 : memref<1x128x64xf32, #tpu.memory_space<vmem>> -> memref<128x64xf32, #tpu.memory_space<vmem>>
      %dma_start3A_205 = arith.constant 0 : i32
      %dma_start3A_206 = tpu.memref_slice %arg4[%add3A_199, %dma_start3A_205] : memref<819200x128xf32, #tpu.memory_space<hbm>> -> memref<128x64xf32, #tpu.memory_space<hbm>>
      %dma_start3A_207 = arith.constant 0 : i32
      %dma_start3A_208 = tpu.memref_slice %arg4[%add3A_199, %dma_start3A_207] : memref<819200x128xf32, #tpu.memory_space<hbm>> -> memref<128x64xf32, #tpu.memory_space<hbm>>
      %dma_start3A_209 = arith.constant 0 : i32
      %dma_start3A_210 = arith.constant 0 : i32
      %dma_start3A_211 = tpu.memref_slice %arg6[%dma_start3A_200, %dma_start3A_209, %dma_start3A_210] : memref<4x128x128xf32, #tpu.memory_space<vmem>> -> memref<1x128x64xf32, #tpu.memory_space<vmem>>
      %dma_start3A_212 = tpu.memref_squeeze %dma_start3A_211 : memref<1x128x64xf32, #tpu.memory_space<vmem>> -> memref<128x64xf32, #tpu.memory_space<vmem>>
      tpu.enqueue_dma source(%dma_start3A_212 : memref<128x64xf32, #tpu.memory_space<vmem>>) target(%dma_start3A_208 : memref<128x64xf32, #tpu.memory_space<hbm>>) target_semaphore(%arg13 : memref<!tpu.dma_semaphore, #tpu.memory_space<semaphore_mem>>)
      %add3A_213 = arith.constant 3 : i32
      %add3A_214 = arith.addi %add3A_184, %add3A_213 : i32
      %lt3A_215 = arith.constant 200 : i32
      %lt3A_216 = arith.cmpi slt, %add3A_214, %lt3A_215 : i32
      %convert_element_type3A_217 = arith.extui %lt3A_216 : i1 to i32
      %cond3A_218 = arith.constant 0 : i32
      %cond3A_219 = arith.cmpi ne, %convert_element_type3A_217, %cond3A_218 : i32
      scf.if %cond3A_219 {
        %dma_wait3A_269 = arith.constant 1 : i32
        %dma_wait3A_270 = arith.constant 0 : i32
        %dma_wait3A_271 = arith.constant 0 : i32
        %dma_wait3A_272 = tpu.memref_slice %arg6[%dma_wait3A_269, %dma_wait3A_270, %dma_wait3A_271] : memref<4x128x128xf32, #tpu.memory_space<vmem>> -> memref<1x128x64xf32, #tpu.memory_space<vmem>>
        %dma_wait3A_273 = tpu.memref_squeeze %dma_wait3A_272 : memref<1x128x64xf32, #tpu.memory_space<vmem>> -> memref<128x64xf32, #tpu.memory_space<vmem>>
        %dma_wait3A_274 = arith.constant 0 : i32
        %dma_wait3A_275 = tpu.memref_slice %arg4[%mul3A_2, %dma_wait3A_274] : memref<819200x128xf32, #tpu.memory_space<hbm>> -> memref<128x64xf32, #tpu.memory_space<hbm>>
        %dma_wait3A_276 = arith.constant 0 : i32
        %dma_wait3A_277 = tpu.memref_slice %arg4[%mul3A_2, %dma_wait3A_276] : memref<819200x128xf32, #tpu.memory_space<hbm>> -> memref<128x64xf32, #tpu.memory_space<hbm>>
        %dma_wait3A_278 = arith.constant 0 : i32
        %dma_wait3A_279 = arith.constant 0 : i32
        %dma_wait3A_280 = tpu.memref_slice %arg6[%dma_wait3A_269, %dma_wait3A_278, %dma_wait3A_279] : memref<4x128x128xf32, #tpu.memory_space<vmem>> -> memref<1x128x64xf32, #tpu.memory_space<vmem>>
        %dma_wait3A_281 = tpu.memref_squeeze %dma_wait3A_280 : memref<1x128x64xf32, #tpu.memory_space<vmem>> -> memref<128x64xf32, #tpu.memory_space<vmem>>
        tpu.wait_dma2 semaphore(%arg12 : memref<!tpu.dma_semaphore, #tpu.memory_space<semaphore_mem>>) src(%dma_wait3A_281 : memref<128x64xf32, #tpu.memory_space<vmem>>) dst(%dma_wait3A_277 : memref<128x64xf32, #tpu.memory_space<hbm>>)
      } else {
      }
      %lt3A_220 = arith.constant 200 : i32
      %lt3A_221 = arith.cmpi slt, %add3A_214, %lt3A_220 : i32
      %convert_element_type3A_222 = arith.extui %lt3A_221 : i1 to i32
      %cond3A_223 = arith.constant 0 : i32
      %cond3A_224 = arith.cmpi ne, %convert_element_type3A_222, %cond3A_223 : i32
      scf.if %cond3A_224 {
        %dma_start3A_269 = arith.constant 1 : i32
        %dma_start3A_270 = arith.constant 0 : i32
        %dma_start3A_271 = arith.constant 0 : i32
        %dma_start3A_272 = tpu.memref_slice %arg6[%dma_start3A_269, %dma_start3A_270, %dma_start3A_271] : memref<4x128x128xf32, #tpu.memory_space<vmem>> -> memref<1x128x128xf32, #tpu.memory_space<vmem>>
        %dma_start3A_273 = tpu.memref_squeeze %dma_start3A_272 : memref<1x128x128xf32, #tpu.memory_space<vmem>> -> memref<128x128xf32, #tpu.memory_space<vmem>>
        %dma_start3A_274 = arith.constant 0 : i32
        %dma_start3A_275 = tpu.memref_slice %arg5[%add3A_214, %dma_start3A_274] : memref<200x128xi32, #tpu.memory_space<vmem>> -> memref<1x128xi32, #tpu.memory_space<vmem>>
        %dma_start3A_276 = tpu.memref_squeeze %dma_start3A_275 : memref<1x128xi32, #tpu.memory_space<vmem>> -> memref<128xi32, #tpu.memory_space<vmem>>
        %dma_start3A_277 = arith.constant 0 : i32
        %dma_start3A_278 = arith.constant 0 : i32
        %dma_start3A_279 = tpu.memref_slice %arg2[%dma_start3A_277, %dma_start3A_278] : memref<1000000x128xf32, #tpu.memory_space<hbm>> -> memref<1000000x128xf32, #tpu.memory_space<hbm>>
        tpu.enqueue_indirect_dma source(%dma_start3A_279 : memref<1000000x128xf32, #tpu.memory_space<hbm>>) target(%dma_start3A_273 : memref<128x128xf32, #tpu.memory_space<vmem>>) offsets(%dma_start3A_276 : memref<128xi32, #tpu.memory_space<vmem>>) semaphore(%arg8 : memref<!tpu.dma_semaphore, #tpu.memory_space<semaphore_mem>>)
      } else {
      }
      %mul3A_225 = arith.constant 4 : i32
      %mul3A_226 = arith.muli %scan3A_94, %mul3A_225 : i32
      %add3A_227 = arith.constant 3 : i32
      %add3A_228 = arith.addi %mul3A_226, %add3A_227 : i32
      %dma_wait3A_229 = arith.constant 0 : i32
      %dma_wait3A_230 = arith.constant 3 : i32
      %dma_wait3A_231 = arith.constant 0 : i32
      %dma_wait3A_232 = arith.constant 0 : i32
      %dma_wait3A_233 = tpu.memref_slice %arg6[%dma_wait3A_230, %dma_wait3A_231, %dma_wait3A_232] : memref<4x128x128xf32, #tpu.memory_space<vmem>> -> memref<1x128x128xf32, #tpu.memory_space<vmem>>
      %dma_wait3A_234 = tpu.memref_squeeze %dma_wait3A_233 : memref<1x128x128xf32, #tpu.memory_space<vmem>> -> memref<128x128xf32, #tpu.memory_space<vmem>>
      %dma_wait3A_235 = arith.constant 0 : i32
      %dma_wait3A_236 = tpu.memref_slice %arg5[%dma_wait3A_229, %dma_wait3A_235] : memref<200x128xi32, #tpu.memory_space<vmem>> -> memref<1x128xi32, #tpu.memory_space<vmem>>
      %dma_wait3A_237 = tpu.memref_squeeze %dma_wait3A_236 : memref<1x128xi32, #tpu.memory_space<vmem>> -> memref<128xi32, #tpu.memory_space<vmem>>
      %dma_wait3A_238 = arith.constant 0 : i32
      %dma_wait3A_239 = arith.constant 0 : i32
      %dma_wait3A_240 = tpu.memref_slice %arg2[%dma_wait3A_238, %dma_wait3A_239] : memref<1000000x128xf32, #tpu.memory_space<hbm>> -> memref<1000000x128xf32, #tpu.memory_space<hbm>>
      tpu.wait_indirect_dma semaphore(%arg10 : memref<!tpu.dma_semaphore, #tpu.memory_space<semaphore_mem>>) src(%dma_wait3A_240 : memref<1000000x128xf32, #tpu.memory_space<hbm>>) dst(%dma_wait3A_234 : memref<128x128xf32, #tpu.memory_space<vmem>>)
      %mul3A_241 = arith.constant 128 : i32
      %mul3A_242 = arith.muli %add3A_228, %mul3A_241 : i32
      %add3A_243 = arith.addi %mul3A_2, %mul3A_242 : i32
      %dma_start3A_244 = arith.constant 3 : i32
      %dma_start3A_245 = arith.constant 0 : i32
      %dma_start3A_246 = arith.constant 0 : i32
      %dma_start3A_247 = tpu.memref_slice %arg6[%dma_start3A_244, %dma_start3A_245, %dma_start3A_246] : memref<4x128x128xf32, #tpu.memory_space<vmem>> -> memref<1x128x64xf32, #tpu.memory_space<vmem>>
      %dma_start3A_248 = tpu.memref_squeeze %dma_start3A_247 : memref<1x128x64xf32, #tpu.memory_space<vmem>> -> memref<128x64xf32, #tpu.memory_space<vmem>>
      %dma_start3A_249 = arith.constant 0 : i32
      %dma_start3A_250 = tpu.memref_slice %arg4[%add3A_243, %dma_start3A_249] : memref<819200x128xf32, #tpu.memory_space<hbm>> -> memref<128x64xf32, #tpu.memory_space<hbm>>
      %dma_start3A_251 = arith.constant 0 : i32
      %dma_start3A_252 = tpu.memref_slice %arg4[%add3A_243, %dma_start3A_251] : memref<819200x128xf32, #tpu.memory_space<hbm>> -> memref<128x64xf32, #tpu.memory_space<hbm>>
      %dma_start3A_253 = arith.constant 0 : i32
      %dma_start3A_254 = arith.constant 0 : i32
      %dma_start3A_255 = tpu.memref_slice %arg6[%dma_start3A_244, %dma_start3A_253, %dma_start3A_254] : memref<4x128x128xf32, #tpu.memory_space<vmem>> -> memref<1x128x64xf32, #tpu.memory_space<vmem>>
      %dma_start3A_256 = tpu.memref_squeeze %dma_start3A_255 : memref<1x128x64xf32, #tpu.memory_space<vmem>> -> memref<128x64xf32, #tpu.memory_space<vmem>>
      tpu.enqueue_dma source(%dma_start3A_256 : memref<128x64xf32, #tpu.memory_space<vmem>>) target(%dma_start3A_252 : memref<128x64xf32, #tpu.memory_space<hbm>>) target_semaphore(%arg14 : memref<!tpu.dma_semaphore, #tpu.memory_space<semaphore_mem>>)
      %add3A_257 = arith.constant 3 : i32
      %add3A_258 = arith.addi %add3A_228, %add3A_257 : i32
      %lt3A_259 = arith.constant 200 : i32
      %lt3A_260 = arith.cmpi slt, %add3A_258, %lt3A_259 : i32
      %convert_element_type3A_261 = arith.extui %lt3A_260 : i1 to i32
      %cond3A_262 = arith.constant 0 : i32
      %cond3A_263 = arith.cmpi ne, %convert_element_type3A_261, %cond3A_262 : i32
      scf.if %cond3A_263 {
        %dma_wait3A_269 = arith.constant 2 : i32
        %dma_wait3A_270 = arith.constant 0 : i32
        %dma_wait3A_271 = arith.constant 0 : i32
        %dma_wait3A_272 = tpu.memref_slice %arg6[%dma_wait3A_269, %dma_wait3A_270, %dma_wait3A_271] : memref<4x128x128xf32, #tpu.memory_space<vmem>> -> memref<1x128x64xf32, #tpu.memory_space<vmem>>
        %dma_wait3A_273 = tpu.memref_squeeze %dma_wait3A_272 : memref<1x128x64xf32, #tpu.memory_space<vmem>> -> memref<128x64xf32, #tpu.memory_space<vmem>>
        %dma_wait3A_274 = arith.constant 0 : i32
        %dma_wait3A_275 = tpu.memref_slice %arg4[%mul3A_2, %dma_wait3A_274] : memref<819200x128xf32, #tpu.memory_space<hbm>> -> memref<128x64xf32, #tpu.memory_space<hbm>>
        %dma_wait3A_276 = arith.constant 0 : i32
        %dma_wait3A_277 = tpu.memref_slice %arg4[%mul3A_2, %dma_wait3A_276] : memref<819200x128xf32, #tpu.memory_space<hbm>> -> memref<128x64xf32, #tpu.memory_space<hbm>>
        %dma_wait3A_278 = arith.constant 0 : i32
        %dma_wait3A_279 = arith.constant 0 : i32
        %dma_wait3A_280 = tpu.memref_slice %arg6[%dma_wait3A_269, %dma_wait3A_278, %dma_wait3A_279] : memref<4x128x128xf32, #tpu.memory_space<vmem>> -> memref<1x128x64xf32, #tpu.memory_space<vmem>>
        %dma_wait3A_281 = tpu.memref_squeeze %dma_wait3A_280 : memref<1x128x64xf32, #tpu.memory_space<vmem>> -> memref<128x64xf32, #tpu.memory_space<vmem>>
        tpu.wait_dma2 semaphore(%arg13 : memref<!tpu.dma_semaphore, #tpu.memory_space<semaphore_mem>>) src(%dma_wait3A_281 : memref<128x64xf32, #tpu.memory_space<vmem>>) dst(%dma_wait3A_277 : memref<128x64xf32, #tpu.memory_space<hbm>>)
      } else {
      }
      %lt3A_264 = arith.constant 200 : i32
      %lt3A_265 = arith.cmpi slt, %add3A_258, %lt3A_264 : i32
      %convert_element_type3A_266 = arith.extui %lt3A_265 : i1 to i32
      %cond3A_267 = arith.constant 0 : i32
      %cond3A_268 = arith.cmpi ne, %convert_element_type3A_266, %cond3A_267 : i32
      scf.if %cond3A_268 {
        %dma_start3A_269 = arith.constant 2 : i32
        %dma_start3A_270 = arith.constant 0 : i32
        %dma_start3A_271 = arith.constant 0 : i32
        %dma_start3A_272 = tpu.memref_slice %arg6[%dma_start3A_269, %dma_start3A_270, %dma_start3A_271] : memref<4x128x128xf32, #tpu.memory_space<vmem>> -> memref<1x128x128xf32, #tpu.memory_space<vmem>>
        %dma_start3A_273 = tpu.memref_squeeze %dma_start3A_272 : memref<1x128x128xf32, #tpu.memory_space<vmem>> -> memref<128x128xf32, #tpu.memory_space<vmem>>
        %dma_start3A_274 = arith.constant 0 : i32
        %dma_start3A_275 = tpu.memref_slice %arg5[%add3A_258, %dma_start3A_274] : memref<200x128xi32, #tpu.memory_space<vmem>> -> memref<1x128xi32, #tpu.memory_space<vmem>>
        %dma_start3A_276 = tpu.memref_squeeze %dma_start3A_275 : memref<1x128xi32, #tpu.memory_space<vmem>> -> memref<128xi32, #tpu.memory_space<vmem>>
        %dma_start3A_277 = arith.constant 0 : i32
        %dma_start3A_278 = arith.constant 0 : i32
        %dma_start3A_279 = tpu.memref_slice %arg2[%dma_start3A_277, %dma_start3A_278] : memref<1000000x128xf32, #tpu.memory_space<hbm>> -> memref<1000000x128xf32, #tpu.memory_space<hbm>>
        tpu.enqueue_indirect_dma source(%dma_start3A_279 : memref<1000000x128xf32, #tpu.memory_space<hbm>>) target(%dma_start3A_273 : memref<128x128xf32, #tpu.memory_space<vmem>>) offsets(%dma_start3A_276 : memref<128xi32, #tpu.memory_space<vmem>>) semaphore(%arg9 : memref<!tpu.dma_semaphore, #tpu.memory_space<semaphore_mem>>)
      } else {
      }
    }
    %scan3A_42 = arith.constant 50 : i32
    %dma_wait3A = arith.constant 0 : i32
    %dma_wait3A_43 = arith.constant 0 : i32
    %dma_wait3A_44 = arith.constant 0 : i32
    %dma_wait3A_45 = tpu.memref_slice %arg6[%dma_wait3A, %dma_wait3A_43, %dma_wait3A_44] : memref<4x128x128xf32, #tpu.memory_space<vmem>> -> memref<1x128x64xf32, #tpu.memory_space<vmem>>
    %dma_wait3A_46 = tpu.memref_squeeze %dma_wait3A_45 : memref<1x128x64xf32, #tpu.memory_space<vmem>> -> memref<128x64xf32, #tpu.memory_space<vmem>>
    %dma_wait3A_47 = arith.constant 0 : i32
    %dma_wait3A_48 = tpu.memref_slice %arg4[%mul3A_2, %dma_wait3A_47] : memref<819200x128xf32, #tpu.memory_space<hbm>> -> memref<128x64xf32, #tpu.memory_space<hbm>>
    %dma_wait3A_49 = arith.constant 0 : i32
    %dma_wait3A_50 = tpu.memref_slice %arg4[%mul3A_2, %dma_wait3A_49] : memref<819200x128xf32, #tpu.memory_space<hbm>> -> memref<128x64xf32, #tpu.memory_space<hbm>>
    %dma_wait3A_51 = arith.constant 0 : i32
    %dma_wait3A_52 = arith.constant 0 : i32
    %dma_wait3A_53 = tpu.memref_slice %arg6[%dma_wait3A, %dma_wait3A_51, %dma_wait3A_52] : memref<4x128x128xf32, #tpu.memory_space<vmem>> -> memref<1x128x64xf32, #tpu.memory_space<vmem>>
    %dma_wait3A_54 = tpu.memref_squeeze %dma_wait3A_53 : memref<1x128x64xf32, #tpu.memory_space<vmem>> -> memref<128x64xf32, #tpu.memory_space<vmem>>
    tpu.wait_dma2 semaphore(%arg11 : memref<!tpu.dma_semaphore, #tpu.memory_space<semaphore_mem>>) src(%dma_wait3A_54 : memref<128x64xf32, #tpu.memory_space<vmem>>) dst(%dma_wait3A_50 : memref<128x64xf32, #tpu.memory_space<hbm>>)
    %dma_wait3A_55 = arith.constant 1 : i32
    %dma_wait3A_56 = arith.constant 0 : i32
    %dma_wait3A_57 = arith.constant 0 : i32
    %dma_wait3A_58 = tpu.memref_slice %arg6[%dma_wait3A_55, %dma_wait3A_56, %dma_wait3A_57] : memref<4x128x128xf32, #tpu.memory_space<vmem>> -> memref<1x128x64xf32, #tpu.memory_space<vmem>>
    %dma_wait3A_59 = tpu.memref_squeeze %dma_wait3A_58 : memref<1x128x64xf32, #tpu.memory_space<vmem>> -> memref<128x64xf32, #tpu.memory_space<vmem>>
    %dma_wait3A_60 = arith.constant 0 : i32
    %dma_wait3A_61 = tpu.memref_slice %arg4[%mul3A_2, %dma_wait3A_60] : memref<819200x128xf32, #tpu.memory_space<hbm>> -> memref<128x64xf32, #tpu.memory_space<hbm>>
    %dma_wait3A_62 = arith.constant 0 : i32
    %dma_wait3A_63 = tpu.memref_slice %arg4[%mul3A_2, %dma_wait3A_62] : memref<819200x128xf32, #tpu.memory_space<hbm>> -> memref<128x64xf32, #tpu.memory_space<hbm>>
    %dma_wait3A_64 = arith.constant 0 : i32
    %dma_wait3A_65 = arith.constant 0 : i32
    %dma_wait3A_66 = tpu.memref_slice %arg6[%dma_wait3A_55, %dma_wait3A_64, %dma_wait3A_65] : memref<4x128x128xf32, #tpu.memory_space<vmem>> -> memref<1x128x64xf32, #tpu.memory_space<vmem>>
    %dma_wait3A_67 = tpu.memref_squeeze %dma_wait3A_66 : memref<1x128x64xf32, #tpu.memory_space<vmem>> -> memref<128x64xf32, #tpu.memory_space<vmem>>
    tpu.wait_dma2 semaphore(%arg12 : memref<!tpu.dma_semaphore, #tpu.memory_space<semaphore_mem>>) src(%dma_wait3A_67 : memref<128x64xf32, #tpu.memory_space<vmem>>) dst(%dma_wait3A_63 : memref<128x64xf32, #tpu.memory_space<hbm>>)
    %dma_wait3A_68 = arith.constant 2 : i32
    %dma_wait3A_69 = arith.constant 0 : i32
    %dma_wait3A_70 = arith.constant 0 : i32
    %dma_wait3A_71 = tpu.memref_slice %arg6[%dma_wait3A_68, %dma_wait3A_69, %dma_wait3A_70] : memref<4x128x128xf32, #tpu.memory_space<vmem>> -> memref<1x128x64xf32, #tpu.memory_space<vmem>>
    %dma_wait3A_72 = tpu.memref_squeeze %dma_wait3A_71 : memref<1x128x64xf32, #tpu.memory_space<vmem>> -> memref<128x64xf32, #tpu.memory_space<vmem>>
    %dma_wait3A_73 = arith.constant 0 : i32
    %dma_wait3A_74 = tpu.memref_slice %arg4[%mul3A_2, %dma_wait3A_73] : memref<819200x128xf32, #tpu.memory_space<hbm>> -> memref<128x64xf32, #tpu.memory_space<hbm>>
    %dma_wait3A_75 = arith.constant 0 : i32
    %dma_wait3A_76 = tpu.memref_slice %arg4[%mul3A_2, %dma_wait3A_75] : memref<819200x128xf32, #tpu.memory_space<hbm>> -> memref<128x64xf32, #tpu.memory_space<hbm>>
    %dma_wait3A_77 = arith.constant 0 : i32
    %dma_wait3A_78 = arith.constant 0 : i32
    %dma_wait3A_79 = tpu.memref_slice %arg6[%dma_wait3A_68, %dma_wait3A_77, %dma_wait3A_78] : memref<4x128x128xf32, #tpu.memory_space<vmem>> -> memref<1x128x64xf32, #tpu.memory_space<vmem>>
    %dma_wait3A_80 = tpu.memref_squeeze %dma_wait3A_79 : memref<1x128x64xf32, #tpu.memory_space<vmem>> -> memref<128x64xf32, #tpu.memory_space<vmem>>
    tpu.wait_dma2 semaphore(%arg13 : memref<!tpu.dma_semaphore, #tpu.memory_space<semaphore_mem>>) src(%dma_wait3A_80 : memref<128x64xf32, #tpu.memory_space<vmem>>) dst(%dma_wait3A_76 : memref<128x64xf32, #tpu.memory_space<hbm>>)
    %dma_wait3A_81 = arith.constant 3 : i32
    %dma_wait3A_82 = arith.constant 0 : i32
    %dma_wait3A_83 = arith.constant 0 : i32
    %dma_wait3A_84 = tpu.memref_slice %arg6[%dma_wait3A_81, %dma_wait3A_82, %dma_wait3A_83] : memref<4x128x128xf32, #tpu.memory_space<vmem>> -> memref<1x128x64xf32, #tpu.memory_space<vmem>>
    %dma_wait3A_85 = tpu.memref_squeeze %dma_wait3A_84 : memref<1x128x64xf32, #tpu.memory_space<vmem>> -> memref<128x64xf32, #tpu.memory_space<vmem>>
    %dma_wait3A_86 = arith.constant 0 : i32
    %dma_wait3A_87 = tpu.memref_slice %arg4[%mul3A_2, %dma_wait3A_86] : memref<819200x128xf32, #tpu.memory_space<hbm>> -> memref<128x64xf32, #tpu.memory_space<hbm>>
    %dma_wait3A_88 = arith.constant 0 : i32
    %dma_wait3A_89 = tpu.memref_slice %arg4[%mul3A_2, %dma_wait3A_88] : memref<819200x128xf32, #tpu.memory_space<hbm>> -> memref<128x64xf32, #tpu.memory_space<hbm>>
    %dma_wait3A_90 = arith.constant 0 : i32
    %dma_wait3A_91 = arith.constant 0 : i32
    %dma_wait3A_92 = tpu.memref_slice %arg6[%dma_wait3A_81, %dma_wait3A_90, %dma_wait3A_91] : memref<4x128x128xf32, #tpu.memory_space<vmem>> -> memref<1x128x64xf32, #tpu.memory_space<vmem>>
    %dma_wait3A_93 = tpu.memref_squeeze %dma_wait3A_92 : memref<1x128x64xf32, #tpu.memory_space<vmem>> -> memref<128x64xf32, #tpu.memory_space<vmem>>
    tpu.wait_dma2 semaphore(%arg14 : memref<!tpu.dma_semaphore, #tpu.memory_space<semaphore_mem>>) src(%dma_wait3A_93 : memref<128x64xf32, #tpu.memory_space<vmem>>) dst(%dma_wait3A_89 : memref<128x64xf32, #tpu.memory_space<hbm>>)
    return
  }
}

</mosaic_0001>

<sc_bundles>
// kernel: kernel.3.cloned.1.call-start
scs
__scs_entry_jumppad:
0x0: {  	(pc) =	sbr.rel $0x88, $3  }
0x1: {  	(tag) =	ssettag $0x0;
	lr =	simm.s32 $0x1  }
0x2: {  	[smem:$0x3F9F] =	sst lr;
	_ =	strace $0xD0000000  }
0x3: {  	_ = 	snop  }
0x4: {  	_ = 	snop  }
0x5: {  	_ = 	snop  }
0x6: {  	_ = 	snop  }
0x7: {  	_ = 	snop  }
__scs_overlays_trampoline_lowered:
0x8: {  	[smem:$0x3FAE] =	sst s0  }
0x9: {  	[smem:$0x3FAF] =	sst s1  }
0xa: {  	[smem:$0x3FB0] =	sst s2  }
0xb: {  	[smem:$0x3FB1] =	sst s3  }
0xc: {  	[smem:$0x3FB2] =	sst s4  }
0xd: {  	[smem:$0x3FB3] =	sst s5  }
0xe: {  	[smem:$0x3FB4] =	sst s6  }
0xf: {  	[smem:$0x3FB5] =	sst s7  }
0x10: {  	[smem:$0x3FB6] =	sst s8  }
0x11: {  	[smem:$0x3FB7] =	sst s9;
	s0 =	simm.s32 @!p0 $0x0  }
0x12: {  	s1 =	sld [smem:$0x3F9D];
	s0 =	simm.s32 @p0 $0x1  }
0x13: {  	[smem:$0x3FB8] =	sst s0;
	s0 =	simm.s32 @!p1 $0x0  }
0x14: {  	s2 =	sld [smem:$0x3F9C];
	s0 =	simm.s32 @p1 $0x1  }
0x15: {  	[smem:$0x3FB9] =	sst s0;
	s0 =	simm.s32 @!p2 $0x0  }
0x16: {  	s3 =	sld [smem:$0x3FDB];
	s0 =	simm.s32 @p2 $0x1  }
0x17: {  	s4 =	simm.s32 $0x1BF5;
	[smem:$0x3FBB] =	sst s0  }
0x18: {  	s0 =	sld [smem:$0x3F9E];
	_ =	swait.ge [sflag:s4], $0x0  }
0x19: {  	s7 =	sld [smem:$0x3F9F]  }
0x1a: {  	s8 =	sadd.s32 $0xFFFFE003, lr  }
0x1b: {  	s9 =	sadd.s32 $0xFFFFFEF7, lr;
	s5 =	simm.s32 $0xFFFFFFFF;
	p2 =	slt.u32 s8, $0xFFFFF086  }
0x1c: {  	p1 =	slt.u32 s9, $0xF7A;
	s5 =	simm.s32 @!p2 $0x0  }
0x1d: {  	s5 =	simm.s32 @p1 $0x1;
	p0 =	seq.s32 s7, s2  }
0x1e: {  	s7 =	smul.u32 @!p0 $0xF7A, s2;
	p2 =	seq.s32 @!p0 s5, $0x0  }
0x1f: {  	s9 =	smul.u32 $0xF7A, s1;
	s8 =	simm.s32 @!p0 $0x1BF5;
	p2 =	por !p2, p0  }
0x20: {  	[sflag:s8] =	ssyncset.s32 @!p0 $0xFFFFF086;
	s6 =	sadd.s32 @!p0 s3, s7;
	s7 =	simm.s32 @!p0 $0x108  }
0x21: {  	s3 =	sadd.s32 s3, s9;
	s6 =	sadd.s32 @!p0 $0x88, s6;
	s7 =	simm.s32 @p2 $0x1082  }
0x22: {  	[simem:s7], [sflag:s8] =	dma.local @!p0 [hbm:s6], $0xF7A  }
0x23: {  	s9 =	sor.u32 $0xD0000000, s2;
	s6 =	simm.s32 $0x108;
	_ =	swait.ge @!p0 [sflag:s8], $0x0  }
0x24: {  	s3 =	sadd.s32 $0x88, s3;
	s6 =	simm.s32 @!p1 $0x1082;
	[sflag:s4] =	ssyncset.s32 $0xFFFFF086  }
0x25: {  	[simem:s6], [sflag:s4] =	dma.local [hbm:s3], $0xF7A  }
0x26: {  	[smem:$0x3F9F] =	sst s1;
	(tag) =	ssettag s2;
	_ =	strace s9  }
0x27: {  	s1 =	sld [smem:$0x3FAF]  }
0x28: {  	s2 =	sld [smem:$0x3FB0]  }
0x29: {  	s4 =	sld [smem:$0x3FB2]  }
0x2a: {  	p0 =	seq.s32 s5, $0x0;
	s5 =	sld [smem:$0x3FB3]  }
0x2b: {  	s6 =	sld [smem:$0x3FB4]  }
0x2c: {  	s7 =	sld [smem:$0x3FB5]  }
0x2d: {  	s3 =	simm.s32 $0x108;
	s8 =	sld [smem:$0x3FB6]  }
0x2e: {  	s3 =	simm.s32 @!p0 $0x1082;
	s9 =	sld [smem:$0x3FB7]  }
0x2f: {  	lr =	sadd.s32 s0, s3;
	s0 =	sld [smem:$0x3FAE]  }
0x30: {  	s3 =	sld [smem:$0x3FB1]  }
0x31: {  	[smem:$0x3FBA] =	sst s10  }
0x32: {  	s10 =	sld [smem:$0x3FB8];
	_ =	sdelay $0x3  }
0x33: {  	p0 =	seq.s32 s10, $0x1;
	s10 =	sld [smem:$0x3FBA];
	_ =	sdelay $0x3  }
0x34: {  	[smem:$0x3FBA] =	sst s10  }
0x35: {  	s10 =	sld [smem:$0x3FB9];
	_ =	sdelay $0x3  }
0x36: {  	p1 =	seq.s32 s10, $0x1;
	s10 =	sld [smem:$0x3FBA];
	_ =	sdelay $0x3  }
0x37: {  	[smem:$0x3FBA] =	sst s10  }
0x38: {  	s10 =	sld [smem:$0x3FBB]  }
0x39: {  	_ = 	snop;
	(pc) =	sbr.ind lr, $3  }
0x3a: {  	_ = 	snop  }
0x3b: {  	_ = 	snop  }
0x3c: {  	p2 =	seq.s32 s10, $0x1;
	s10 =	sld [smem:$0x3FBA]  }
0x3d: {  	_ =	shalt  }
0x3e: {  	_ =	shalt  }
0x3f: {  	_ =	shalt  }
0x40: {  	_ =	shalt  }
0x41: {  	_ =	shalt  }
0x42: {  	_ =	shalt  }
0x43: {  	_ =	shalt  }
0x44: {  	_ =	shalt  }
0x45: {  	_ =	shalt  }
0x46: {  	_ =	shalt  }
0x47: {  	_ =	shalt  }
0x48: {  	_ =	shalt  }
0x49: {  	_ =	shalt  }
0x4a: {  	_ =	shalt  }
0x4b: {  	_ =	shalt  }
0x4c: {  	_ =	shalt  }
0x4d: {  	_ =	shalt  }
0x4e: {  	_ =	shalt  }
0x4f: {  	_ =	shalt  }
0x50: {  	_ =	shalt  }
0x51: {  	_ =	shalt  }
0x52: {  	_ =	shalt  }
0x53: {  	_ =	shalt  }
0x54: {  	_ =	shalt  }
0x55: {  	_ =	shalt  }
0x56: {  	_ =	shalt  }
0x57: {  	_ =	shalt  }
0x58: {  	_ =	shalt  }
0x59: {  	_ =	shalt  }
0x5a: {  	_ =	shalt  }
0x5b: {  	_ =	shalt  }
0x5c: {  	_ =	shalt  }
0x5d: {  	_ =	shalt  }
0x5e: {  	_ =	shalt  }
0x5f: {  	_ =	shalt  }
0x60: {  	_ =	shalt  }
0x61: {  	_ =	shalt  }
0x62: {  	_ =	shalt  }
0x63: {  	_ =	shalt  }
0x64: {  	_ =	shalt  }
0x65: {  	_ =	shalt  }
0x66: {  	_ =	shalt  }
0x67: {  	_ =	shalt  }
0x68: {  	_ =	shalt  }
0x69: {  	_ =	shalt  }
0x6a: {  	_ =	shalt  }
0x6b: {  	_ =	shalt  }
0x6c: {  	_ =	shalt  }
0x6d: {  	_ =	shalt  }
0x6e: {  	_ =	shalt  }
0x6f: {  	_ =	shalt  }
0x70: {  	_ =	shalt  }
0x71: {  	_ =	shalt  }
0x72: {  	_ =	shalt  }
0x73: {  	_ =	shalt  }
0x74: {  	_ =	shalt  }
0x75: {  	_ =	shalt  }
0x76: {  	_ =	shalt  }
0x77: {  	_ =	shalt  }
0x78: {  	_ =	shalt  }
0x79: {  	_ =	shalt  }
0x7a: {  	_ =	shalt  }
0x7b: {  	_ =	shalt  }
0x7c: {  	_ =	shalt  }
0x7d: {  	_ =	shalt  }
0x7e: {  	_ =	shalt  }
0x7f: {  	_ =	shalt  }
0x80: {  	_ =	shalt  }
0x81: {  	_ =	shalt  }
0x82: {  	_ =	shalt  }
0x83: {  	_ =	shalt  }
0x84: {  	_ =	shalt  }
0x85: {  	_ =	shalt  }
0x86: {  	_ =	shalt  }
0x87: {  	_ =	shalt  }
.Lfunc_end0:
.L_simem_size_0:
called_computation.1_lowered:
.L_overlay_start_0:
0x88: {  	s2 =	sld [smem:$0x3FD9]  }
0x89: {  	s3 =	sld [smem:$0x3FFE];
	_ =	sdelay $0x1  }
0x8a: {  	s1 =	srdreg.scid  }
0x8b: {  	s0 =	sand.u32 $0x1, s1  }
0x8c: {  	s17 =	sshll.u32 s0, $0xA;
	s2 =	sadd.s32 s3, s2  }
0x8d: {  	s2 =	sadd.s32 s2, s17  }
0x8e: {  	[smem:$0x3FC6] =	sst s2  }
0x8f: {  	_ = 	snop  }
0x90: {  	s2 =	sld [smem:$0x3FD0];
	(tm) =	ssettm $0x1  }
0x91: {  	s18 =	sld [smem:$0x3FFB];
	_ =	sdelay $0x3  }
0x92: {  	_ =	strace s18  }
0x93: {  	s3 =	sld [smem:$0x3FFC];
	_ =	sdelay $0x3  }
0x94: {  	_ =	strace s3  }
0x95: {  	s3 =	sld [smem:$0x3FFD];
	_ =	sdelay $0x3  }
0x96: {  	_ =	strace s3  }
0x97: {  	_ =	strace $0x8FFFFFFF  }
0x98: {  	s19 =	sld [smem:$0x3FDB];
	_ =	sdelay $0x1  }
0x99: {  	s4 =	simm.s32 $_scs_section_size  }
0x9a: {  	s5 =	simm.s32 $_size__tile_overlayer_lowered;
	s6 =	simm.s32 $_tile_overlayer_lowered  }
0x9b: {  	s22 =	simm.s32 $0x1BFF;
	s21 =	sshll.u32 s6, $0x1;
	s3 =	sadd.s32 s4, s19  }
0x9c: {  	s7 =	simm.s32 $0x0;
	s20 =	sshll.u32 s5, $0x1;
	s5 =	sadd.s32 s21, s3  }
0x9d: {  	[timem:s7], [sflag:s22] =	dma.local [hbm:s5], s20  }
0x9e: {  	_ =	swait.ge [sflag:s22], s20  }
0x9f: {  	s4 =	ssub.s32 $0x0, s20;
	[sflag:s22] =	ssyncset.done $0x0  }
0xa0: {  	[sflag:s22] =	ssyncadd.s32 s4;
	_ =	sdelay $0x1  }
0xa1: {  	s23 =	simm.s32 $0x1B8B  }
0xa2: {  	_ =	swait.ge [sflag:s23], $0x1  }
0xa3: {  	[sflag:s23] =	ssyncset.done $0x0  }
0xa4: {  	s25 =	simm.s32 $0x1B8E;
	s24 =	sld [smem:$0x3FFE];
	[sflag:s23] =	ssyncadd.s32 $0xFFFFFFFF  }
0xa5: {  	s26 =	simm.s32 $execute0_lowered;
	[smem:$0x3FD2] =	sst s25  }
0xa6: {  	s5 =	sshll.u32 s26, $0x1;
	_ =	strace $0x80000046;
	[dreg:$0x1] =	wrdreg $0xFFFFFFFF  }
0xa7: {  	s28 =	simm.s32 $_size_execute0_lowered;
	s3 =	sadd.s32 s3, s5;
	[dreg:$0x0] =	wrdreg $0x0  }
0xa8: {  	s5 =	sshll.u32 s28, $0x1;
	[dreg:$0x2] =	wrdreg s3  }
0xa9: {  	[dreg:$0x3] =	wrdreg s5  }
0xaa: {  	[dreg:$0x4] =	wrdreg $0xC0  }
0xab: {  	_ =	task [dreg:s7], $0x5FFFF  }
0xac: {  	[dreg:$0x1] =	wrdreg $0xFFFFFFFF  }
0xad: {  	[dreg:$0x0] =	wrdreg $0x60  }
0xae: {  	[dreg:$0x2] =	wrdreg s24  }
0xaf: {  	[dreg:$0x3] =	wrdreg s2  }
0xb0: {  	[dreg:$0x4] =	wrdreg $0x9  }
0xb1: {  	_ =	task.clear_ibuf [dreg:s7], $0x5FFFF;
	_ =	strace $0x90000046  }
0xb2: {  	s29 =	simm.s32 $0x9;
	_ =	strace $0x80000048  }
0xb3: {  	_ =	swait.ge [sflag:s29], $0x1  }
0xb4: {  	[sflag:s29] =	ssyncadd.s32 $0xFFFFFFFF  }
0xb5: {  	_ =	strace $0x90000048  }
0xb6: {  	_ =	sfence  }
0xb7: {  	s30 =	sld [smem:$0x0];
	_ =	sdelay $0x2  }
0xb8: {  	s31 =	sshll.u32 s1, $0xD;
	s1 =	sshrl.u32 s1, $0x2  }
0xb9: {  	s3 =	sand.u32 $0x4000, s31;
	s1 =	sadd.s32 s1, s30  }
0xba: {  	s0 =	sor.u32 s3, s0;
	s1 =	sshll.u32 s1, $0x11  }
0xbb: {  	s0 =	sor.u32 s1, s0  }
0xbc: {  	s0 =	sadd.s32 $0x8F2B, s0  }
0xbd: {  	[sflag:s0] =	ssyncadd.remote.s32 $0x1  }
0xbe: {  	_ =	sfence.sel $0xFFFF  }
0xbf: {  	[dreg:$0x0] =	wrdreg $0xFFFFFFFF;
	(pc) =	sbr.abs _section_cstart, $3  }
0xc0: {  	[dreg:$0x1] =	wrdreg $0xFFFFFFFF  }
0xc1: {  	_ =	task.clear_ibuf [dreg:s7], $0x2FFFF;
	_ =	strace $0x9FFFFFFF  }
0xc2: {  	(tm) =	ssettm $0x7FFFFFFF  }
0xc3: {  	_ =	shalt  }
tec
execute0_lowered:
.L_overlay_start_1:
0x0: {  	(tag) =	ssettag $0x1  }
0x1: {  	s0 =	rddreg [dreg:$0x0];
	s1 =	srdreg.scid  }
0x2: {  	s2 =	stileid.u32;
	s5 =	rddreg [dreg:$0x1]  }
0x3: {  	s10 =	simm.s32 $0x9;
	s11 =	simm.s32 $0x80;
	s14 =	simm.s32 $0x100  }
0x4: {  	s15 =	simm.s32 $0xE400;
	s16 =	simm.s32 $0x1;
	s17 =	simm.s32 $0x12400  }
0x5: {  	s18 =	simm.s32 $0x2;
	s19 =	simm.s32 $0x3;
	s20 =	simm.s32 $0x4  }
0x6: {  	s21 =	simm.s32 $0x5;
	s22 =	simm.s32 $0x6;
	s23 =	simm.s32 $0x7  }
0x7: {  	s24 =	simm.s32 $0x8;
	s25 =	simm.s32 $0x0;
	s1 =	sand.u32 $0x1, s1  }
0x8: {  	s3 =	sshll.u32 s2, $0x1;
	s2 =	simm.s32 $0x0;
	s4 =	sadd.s32 $0xA00, s0  }
.Ltmp0:
0x9: {  	s6 =	sor.u32 s1, s3;
	[smem:$0x7FF] =	sst s2;
	(pc) =	sbr.rel .LBB2_1-.Ltmp0, $4  }
0xa: {  	s1 =	ssub.s32 $0x2, s1;
	s3 =	sadd.s32 $0xF42E00, s0;
	s8 =	smul.u32 $0x6400, s6  }
0xb: {  	_ =	strace $0x80000047;
	s7 =	sshrl.u32 s1, $0x1;
	s6 =	smul.u32 $0x320000, s6  }
0xc: {  	s30 =	ssub.s32 s1, s7;
	s31 =	sshrl.u32 s8, $0x3;
	s7 =	sor.u32 $0x80, s8  }
0xd: {  	s8 =	sor.u32 $0x100, s8;
	s9 =	smax.u32 s30, $0x1;
	s5 =	sadd.s32 s5, s31  }
.LBB2_12:
0xe: {  	_ =	swait.ge [sflag:s21], $0x2000  }
0xf: {  	[sflag:s21] =	ssyncset.done $0x0  }
0x10: {  	[sflag:s21] =	ssyncadd.s32 $0xFFFFE000  }
0x11: {  	_ =	swait.ge [sflag:s22], $0x2000  }
0x12: {  	[sflag:s22] =	ssyncset.done $0x0  }
0x13: {  	s25 =	sadd.s32 $0x1, s25;
	[sflag:s22] =	ssyncadd.s32 $0xFFFFE000  }
0x14: {  	p0 =	sne.s32 s25, s9;
	_ =	swait.ge [sflag:s23], $0x2000  }
.Ltmp1:
0x15: {  	[sflag:s23] =	ssyncset.done $0x0;
	(pc) =	sbr.rel @!p0 .LBB2_13-.Ltmp1, $4  }
0x16: {  	[sflag:s23] =	ssyncadd.s32 $0xFFFFE000  }
0x17: {  	_ =	swait.ge [sflag:s24], $0x2000  }
0x18: {  	[sflag:s24] =	ssyncset.done $0x0  }
0x19: {  	[sflag:s24] =	ssyncadd.s32 $0xFFFFE000  }
.LBB2_1:
0x1a: {  	[tilespmem:s2], [sflag:$0x9] =	stream.linear.gather [hbm4b:s5+s2], $0x6400, $0x38;
	[tilespmem:$0x16400] =	vst v63  }
0x1b: {  	_ =	swait.ge [sflag:s10], $0x6400  }
0x1c: {  	[sflag:s10] =	ssyncset.done $0x0  }
0x1d: {  	s0 =	simm.s32 $0x6400;
	[sflag:s10] =	ssyncadd.s32 $0xFFFF9C00  }
0x1e: {  	[tilespmem:s0], [sflag:$0x1] =	stream.indirect.gather [hbm4b:s3+s11], $0x80, s2, s11, $0xb8;
	[tilespmem:$0x16400] =	vst v63  }
0x1f: {  	s31 =	simm.s32 $0xA400  }
0x20: {  	[tilespmem:s31], [sflag:$0x2] =	stream.indirect.gather [hbm4b:s3+s11], $0x80, s11, s11, $0xb8;
	[tilespmem:$0x16400] =	vst v63  }
0x21: {  	s26 =	simm.s32 $0x0  }
0x22: {  	[tilespmem:s15], [sflag:$0x3] =	stream.indirect.gather [hbm4b:s3+s11], $0x80, s14, s11, $0xb8;
	[tilespmem:$0x16400] =	vst v63  }
.LBB2_2:
0x23: {  	s0 =	sshll.u32 s26, $0x10  }
0x24: {  	s0 =	sadd.s32 s6, s0  }
0x25: {  	_ =	swait.ge [sflag:s16], $0x4000;
	s29 =	simm.s32 $0x6400;
	s0 =	sshrl.u32 s0, $0x3  }
0x26: {  	s1 =	simm.s32 $0x10;
	[sflag:s16] =	ssyncset.done $0x0;
	s28 =	sadd.s32 s4, s0  }
0x27: {  	[sflag:s16] =	ssyncadd.s32 $0xFFFFC000;
	s0 =	simm.s32 $0x6480;
	s12 =	sadd.s32 $0x0, s28  }
.LBB2_3:
0x28: {  	[hbm4b:s12+s2] =	stream.linear.scatter [tilespmem:s29], [sflag:$0x5], $0x40, $0x38;
	[tilespmem:$0x16400] =	vst v63  }
0x29: {  	s12 =	smov.u32 s1;
	s29 =	smov.u32 s0;
	p0 =	sne.s32 s1, $0x7F0  }
.Ltmp2:
0x2a: {  	s1 =	sadd.s32 $0x10, s1;
	(pc) =	sbr.rel @p0 .LBB2_3-.Ltmp2, $2  }
0x2b: {  	_ =	sdelay $0x2  }
0x2c: {  	s0 =	sadd.s32 $0x80, s0;
	s12 =	sadd.s32 s12, s28  }
0x2d: {  	[hbm4b:s12+s2] =	stream.linear.scatter [tilespmem:s29], [sflag:$0x5], $0x40, $0x38;
	[tilespmem:$0x16400] =	vst v63  }
0x2e: {  	p0 =	seq.s32 s26, $0x0  }
0x2f: {  	s0 =	simm.s32 @!p0 $0x8  }
0x30: {  	s29 =	sshllo.u32 s26, $0x2;
	s28 =	sshll.u32 s26, $0x9;
	_ =	swait.ge @!p0 [sflag:s0], $0x2000  }
0x31: {  	s1 =	sshll.u32 s29, $0x7;
	s13 =	sadd.s32 s28, s7;
	[sflag:s0] =	ssyncset.done @!p0 $0x0  }
0x32: {  	s12 =	sand.u32 $0x3FFFFF80, s1;
	[sflag:s0] =	ssyncadd.s32 @!p0 $0xFFFFE000;
	s0 =	sshll.u32 s13, $0x4  }
0x33: {  	[tilespmem:s17], [sflag:$0x4] =	stream.indirect.gather [hbm4b:s3+s11], $0x80, s12, s11, $0xb8;
	[tilespmem:$0x16400] =	vst v63  }
0x34: {  	s31 =	simm.s32 $0xA400;
	s0 =	sand.u32 $0x1FFFE800, s0;
	_ =	swait.ge [sflag:s18], $0x4000  }
0x35: {  	s1 =	simm.s32 $0x10;
	s30 =	sadd.s32 s4, s0;
	[sflag:s18] =	ssyncset.done $0x0  }
0x36: {  	s0 =	simm.s32 $0xA480;
	s12 =	sadd.s32 $0x0, s30;
	[sflag:s18] =	ssyncadd.s32 $0xFFFFC000  }
.LBB2_5:
0x37: {  	[hbm4b:s12+s2] =	stream.linear.scatter [tilespmem:s31], [sflag:$0x6], $0x40, $0x38;
	[tilespmem:$0x16400] =	vst v63  }
0x38: {  	s12 =	smov.u32 s1;
	s31 =	smov.u32 s0;
	p0 =	sne.s32 s1, $0x7F0  }
.Ltmp3:
0x39: {  	s1 =	sadd.s32 $0x10, s1;
	(pc) =	sbr.rel @p0 .LBB2_5-.Ltmp3, $2  }
0x3a: {  	_ =	sdelay $0x2  }
0x3b: {  	s0 =	sadd.s32 $0x80, s0;
	s12 =	sadd.s32 s12, s30  }
0x3c: {  	[hbm4b:s12+s2] =	stream.linear.scatter [tilespmem:s31], [sflag:$0x6], $0x40, $0x38;
	[tilespmem:$0x16400] =	vst v63  }
0x3d: {  	p0 =	seq.s32 s26, $0x31  }
0x3e: {  	s0 =	simm.s32 @!p0 $0x5  }
0x3f: {  	s13 =	sadd.s32 s28, s8;
	s1 =	sshll.u32 @!p0 s26, $0x9;
	_ =	swait.ge @!p0 [sflag:s0], $0x2000  }
0x40: {  	s12 =	simm.s32 @!p0 $0x6400;
	s30 =	sand.u32 @!p0 $0x3FFFFE00, s1;
	[sflag:s0] =	ssyncset.done @!p0 $0x0  }
0x41: {  	s1 =	simm.s32 @!p0 $0x80;
	[sflag:s0] =	ssyncadd.s32 @!p0 $0xFFFFE000;
	s0 =	sadd.s32 @!p0 $0x200, s30  }
0x42: {  	[tilespmem:s12], [sflag:$0x1] =	stream.indirect.gather @!p0 [hbm4b:s3+s1], $0x80, s0, s1, $0xb8;
	[tilespmem:$0x16400] =	vst v63  }
0x43: {  	s0 =	sshll.u32 s13, $0x4  }
0x44: {  	s1 =	simm.s32 $0xE400;
	_ =	swait.ge [sflag:s19], $0x4000;
	s0 =	sand.u32 $0x1FFFF000, s0  }
0x45: {  	s12 =	simm.s32 $0xE480;
	[sflag:s19] =	ssyncset.done $0x0;
	s31 =	sadd.s32 s4, s0  }
0x46: {  	s0 =	simm.s32 $0x10;
	[sflag:s19] =	ssyncadd.s32 $0xFFFFC000;
	s13 =	sadd.s32 $0x0, s31  }
.LBB2_7:
0x47: {  	[hbm4b:s13+s2] =	stream.linear.scatter [tilespmem:s1], [sflag:$0x7], $0x40, $0x38;
	[tilespmem:$0x16400] =	vst v63  }
0x48: {  	s13 =	smov.u32 s0;
	s1 =	smov.u32 s12;
	p1 =	sne.s32 s0, $0x7F0  }
.Ltmp4:
0x49: {  	s0 =	sadd.s32 $0x10, s0;
	(pc) =	sbr.rel @p1 .LBB2_7-.Ltmp4, $2  }
0x4a: {  	_ =	sdelay $0x2  }
0x4b: {  	s12 =	sadd.s32 $0x80, s12;
	s13 =	sadd.s32 s13, s31  }
0x4c: {  	[hbm4b:s13+s2] =	stream.linear.scatter [tilespmem:s1], [sflag:$0x7], $0x40, $0x38;
	[tilespmem:$0x16400] =	vst v63  }
0x4d: {  	s0 =	simm.s32 @!p0 $0x6  }
0x4e: {  	_ =	swait.ge @!p0 [sflag:s0], $0x2000  }
0x4f: {  	s1 =	simm.s32 @!p0 $0x80;
	s12 =	simm.s32 @!p0 $0xA400;
	[sflag:s0] =	ssyncset.done @!p0 $0x0  }
0x50: {  	s31 =	sshll.u32 s29, $0xE;
	[sflag:s0] =	ssyncadd.s32 @!p0 $0xFFFFE000;
	s0 =	sadd.s32 @!p0 $0x280, s30  }
0x51: {  	[tilespmem:s12], [sflag:$0x2] =	stream.indirect.gather @!p0 [hbm4b:s3+s1], $0x80, s0, s1, $0xb8;
	[tilespmem:$0x16400] =	vst v63  }
0x52: {  	s0 =	sadd.s32 s6, s31  }
0x53: {  	s1 =	simm.s32 $0x12400;
	_ =	swait.ge [sflag:s20], $0x4000;
	s0 =	sshrl.u32 s0, $0x3  }
0x54: {  	s12 =	simm.s32 $0x12480;
	[sflag:s20] =	ssyncset.done $0x0;
	s29 =	sadd.s32 s4, s0  }
0x55: {  	s0 =	simm.s32 $0x10;
	[sflag:s20] =	ssyncadd.s32 $0xFFFFC000;
	s13 =	sadd.s32 $0x0, s29  }
.LBB2_9:
0x56: {  	[hbm4b:s13+s2] =	stream.linear.scatter [tilespmem:s1], [sflag:$0x8], $0x40, $0x38;
	[tilespmem:$0x16400] =	vst v63  }
0x57: {  	s13 =	smov.u32 s0;
	s1 =	smov.u32 s12;
	p1 =	sne.s32 s0, $0x7F0  }
.Ltmp5:
0x58: {  	s0 =	sadd.s32 $0x10, s0;
	(pc) =	sbr.rel @p1 .LBB2_9-.Ltmp5, $2  }
0x59: {  	_ =	sdelay $0x2  }
0x5a: {  	s12 =	sadd.s32 $0x80, s12;
	s13 =	sadd.s32 s13, s29  }
.Ltmp6:
0x5b: {  	(pc) =	sbr.rel @p0 .LBB2_12-.Ltmp6, $2  }
0x5c: {  	_ =	sdelay $0x2  }
0x5d: {  	[hbm4b:s13+s2] =	stream.linear.scatter [tilespmem:s1], [sflag:$0x8], $0x40, $0x38;
	[tilespmem:$0x16400] =	vst v63  }
.Ltmp7:
0x5e: {  	(pc) =	sbr.rel .LBB2_2-.Ltmp7, $4  }
0x5f: {  	_ =	swait.ge [sflag:s23], $0x2000  }
0x60: {  	s0 =	sand.u32 $0x3FFFFE00, s28;
	[sflag:s23] =	ssyncset.done $0x0  }
0x61: {  	s26 =	sadd.s32 $0x1, s26;
	s0 =	sadd.s32 $0x300, s0;
	[sflag:s23] =	ssyncadd.s32 $0xFFFFE000  }
0x62: {  	[tilespmem:s15], [sflag:$0x3] =	stream.indirect.gather [hbm4b:s3+s11], $0x80, s0, s11, $0xb8;
	[tilespmem:$0x16400] =	vst v63  }
.LBB2_13:
0x63: {  	_ =	sfence.sel $0x180000  }
0x64: {  	[bflag:$0x0] =	sbarrier.arrive $0xFFFF  }
0x65: {  	_ =	strace $0x90000047  }
0x66: {  	s0 =	stileid.u32;
	[bflag:$0x2] =	sbarrier.arrive $0xFFFF  }
0x67: {  	p0 =	sne.s32 s0, $0x0;
	s0 =	rddreg [dreg:$0x2]  }
0x68: {  	s0 =	sadd.s32 @!p0 $0x100000, s0  }
0x69: {  	[sflag:s0] =	ssyncadd.tile.s32 @!p0 $0x1;
	_ =	shalt  }
.Lfunc_end2:
_tile_overlayer_lowered:
.L_overlay_start_2:
0x6a: {  	(tag) =	ssettag $0x2  }
0x6b: {  	s0 =	rddreg [dreg:$0x0];
	s2 =	stileid.u32  }
0x6c: {  	s1 =	rddreg [dreg:$0x1];
	p0 =	sne.s32 s2, $0x0  }
0x6d: {  	s3 =	rddreg [dreg:$0x2];
	[bflag:$0x3] =	sbarrier.arrive $0xFFFF;
	s2 =	simm.s32 @!p0 $0x1C09  }
0x6e: {  	[timem:s3], [sflag:s2] =	dma.local @!p0 [hbm:s0], s1  }
0x6f: {  	s0 =	simm.s32 @!p0 $0x9  }
0x70: {  	_ =	swait.ge @!p0 [sflag:s0], s1  }
0x71: {  	s1 =	ssub.s32 @!p0 $0x0, s1;
	[sflag:s0] =	ssyncset.done @!p0 $0x0  }
0x72: {  	[sflag:s0] =	ssyncadd.s32 @!p0 s1  }
0x73: {  	[bflag:$0x3] =	sbarrier.arrive $0xFFFF  }
0x74: {  	_ =	shalt  }

// kernel: sparse-core-data-format-call.cloned.1.call-start
scs
called_computation_lowered:
.L_overlay_start_0:
0x0: {  	s2 =	sld [smem:$0x3FD9]  }
0x1: {  	s3 =	sld [smem:$0x3FFE];
	_ =	sdelay $0x1  }
0x2: {  	s1 =	srdreg.scid  }
0x3: {  	s0 =	sand.u32 $0x1, s1  }
0x4: {  	s18 =	sshll.u32 s0, $0xA;
	s2 =	sadd.s32 s3, s2  }
0x5: {  	s2 =	sadd.s32 s2, s18  }
0x6: {  	[smem:$0x3FC6] =	sst s2  }
0x7: {  	_ = 	snop  }
0x8: {  	s2 =	sld [smem:$0x3FD0];
	(tm) =	ssettm $0x1  }
0x9: {  	s19 =	sld [smem:$0x3FFB];
	_ =	sdelay $0x3  }
0xa: {  	_ =	strace s19  }
0xb: {  	s3 =	sld [smem:$0x3FFC];
	_ =	sdelay $0x3  }
0xc: {  	_ =	strace s3  }
0xd: {  	s3 =	sld [smem:$0x3FFD];
	_ =	sdelay $0x3  }
0xe: {  	_ =	strace s3  }
0xf: {  	_ =	strace $0x8FFFFFFF  }
0x10: {  	s20 =	sld [smem:$0x3FDB];
	_ =	sdelay $0x1  }
0x11: {  	s4 =	simm.s32 $_scs_section_size  }
0x12: {  	s5 =	simm.s32 $_size__tile_overlayer_lowered;
	s6 =	simm.s32 $_tile_overlayer_lowered  }
0x13: {  	s23 =	simm.s32 $0x1BFF;
	s22 =	sshll.u32 s6, $0x1;
	s3 =	sadd.s32 s4, s20  }
0x14: {  	s7 =	simm.s32 $0x0;
	s21 =	sshll.u32 s5, $0x1;
	s5 =	sadd.s32 s22, s3  }
0x15: {  	[timem:s7], [sflag:s23] =	dma.local [hbm:s5], s21  }
0x16: {  	_ =	swait.ge [sflag:s23], s21  }
0x17: {  	s4 =	ssub.s32 $0x0, s21;
	[sflag:s23] =	ssyncset.done $0x0  }
0x18: {  	[sflag:s23] =	ssyncadd.s32 s4;
	_ =	sdelay $0x1  }
0x19: {  	s24 =	simm.s32 $0x1B8B  }
0x1a: {  	_ =	swait.ge [sflag:s24], $0x1  }
0x1b: {  	[sflag:s24] =	ssyncset.done $0x0  }
0x1c: {  	s26 =	simm.s32 $0x1B8E;
	s25 =	sld [smem:$0x3FFE];
	[sflag:s24] =	ssyncadd.s32 $0xFFFFFFFF  }
0x1d: {  	s27 =	simm.s32 $execute0_lowered;
	[smem:$0x3FD2] =	sst s26  }
0x1e: {  	s5 =	sshll.u32 s27, $0x1;
	_ =	strace $0x80000049;
	[dreg:$0x1] =	wrdreg $0xFFFFFFFF  }
0x1f: {  	s28 =	simm.s32 $_size_execute0_lowered;
	s3 =	sadd.s32 s3, s5;
	[dreg:$0x0] =	wrdreg $0x0  }
0x20: {  	s5 =	sshll.u32 s28, $0x1;
	[dreg:$0x2] =	wrdreg s3  }
0x21: {  	[dreg:$0x3] =	wrdreg s5  }
0x22: {  	[dreg:$0x4] =	wrdreg $0xC0  }
0x23: {  	_ =	task [dreg:s7], $0x5FFFF  }
0x24: {  	[dreg:$0x1] =	wrdreg $0xFFFFFFFF  }
0x25: {  	[dreg:$0x0] =	wrdreg $0x60  }
0x26: {  	[dreg:$0x2] =	wrdreg s25  }
0x27: {  	[dreg:$0x3] =	wrdreg s2  }
0x28: {  	[dreg:$0x4] =	wrdreg $0x9  }
0x29: {  	_ =	task.clear_ibuf [dreg:s7], $0x5FFFF;
	_ =	strace $0x90000049  }
0x2a: {  	s29 =	simm.s32 $0x9;
	_ =	strace $0x8000004B  }
0x2b: {  	_ =	swait.ge [sflag:s29], $0x1  }
0x2c: {  	[sflag:s29] =	ssyncadd.s32 $0xFFFFFFFF  }
0x2d: {  	_ =	strace $0x9000004B  }
0x2e: {  	_ =	sfence  }
0x2f: {  	s30 =	sld [smem:$0x0];
	_ =	sdelay $0x2  }
0x30: {  	s31 =	sshll.u32 s1, $0xD;
	s1 =	sshrl.u32 s1, $0x2  }
0x31: {  	s3 =	sand.u32 $0x4000, s31;
	s1 =	sadd.s32 s1, s30  }
0x32: {  	s0 =	sor.u32 s3, s0;
	s1 =	sshll.u32 s1, $0x11  }
0x33: {  	s0 =	sor.u32 s1, s0  }
0x34: {  	s0 =	sadd.s32 $0x8F2B, s0  }
0x35: {  	[sflag:s0] =	ssyncadd.remote.s32 $0x1  }
0x36: {  	_ =	sfence.sel $0xFFFF  }
0x37: {  	[dreg:$0x0] =	wrdreg $0xFFFFFFFF;
	(pc) =	sbr.abs _section_cstart, $3  }
0x38: {  	[dreg:$0x1] =	wrdreg $0xFFFFFFFF  }
0x39: {  	_ =	task.clear_ibuf [dreg:s7], $0x2FFFF;
	_ =	strace $0x9FFFFFFF  }
0x3a: {  	(tm) =	ssettm $0x7FFFFFFF  }
0x3b: {  	_ =	shalt  }
tec
execute0_lowered:
.L_overlay_start_1:
0x0: {  	(tag) =	ssettag $0x1  }
0x1: {  	s0 =	srdreg.scid  }
0x2: {  	s1 =	sshll.u32 s0, $0x4  }
0x3: {  	s0 =	stileid.u32;
	s1 =	sand.u32 $0x10, s1  }
0x4: {  	s1 =	sor.u32 s0, s1  }
0x5: {  	s6 =	rddreg [dreg:$0x0];
	s4 =	simm.s32 $0x1;
	s2 =	sshll.u32 s1, $0x7  }
0x6: {  	s7 =	simm.s32 $0x2;
	s12 =	simm.s32 $0x0;
	s1 =	ssub.s32 $0x1000, s2  }
0x7: {  	s8 =	simm.s32 $0x8000;
	s13 =	simm.s32 $0x0;
	s3 =	sand.u32 $0xF80, s1  }
0x8: {  	s9 =	simm.s32 $0x0;
	s5 =	sshrl.u32 s1, $0xC;
	p0 =	sne.s32 s3, $0x0  }
.Ltmp0:
0x9: {  	s1 =	rddreg [dreg:$0x2];
	s4 =	simm.s32 @!p0 $0x0;
	(pc) =	sbr.rel .LBB1_1-.Ltmp0, $4  }
0xa: {  	s11 =	simm.s32 $0x0;
	s3 =	rddreg [dreg:$0x1];
	s5 =	sadd.s32 s4, s5  }
0xb: {  	_ =	strace $0x8000004A;
	s4 =	simm.s32 $0x1;
	s5 =	smul.u32 $0xC8, s5  }
0xc: {  	s6 =	sadd.s32 $0xA00, s6;
	s10 =	smov.u32 s2;
	[sflag:s4] =	ssyncpa.u1 $0x0  }
0xd: {  	p0 =	por $0x0, $0x0;
	[sflag:s7] =	ssyncpa.u1 $0x0;
	s7 =	sor.u32 $0x1, s5  }
.LBB1_4:
0xe: {  	s16 =	sshll.u32 s13, $0x3;
	s17 =	sand.u32 $0x78, s13  }
0xf: {  	s30 =	sand.u32 $0x7E00, s13;
	s12 =	sshll.u32 s12, $0xF;
	s16 =	sand.u32 $0xC00, s16  }
0x10: {  	[tilespmem:s15+$0x810 ss:$0x81] =	vst.msk $0xffff, v2;
	s31 =	sand.u32 $0x7, s13;
	s16 =	sor.u32 s17, s16;
	s17 =	sadd.s32 s3, s30  }
0x11: {  	[tilespmem:s15+$0x1020 ss:$0x81] =	vst.msk $0xffff, v0;
	s13 =	sshll.u32 s31, $0x12;
	s12 =	sadd.s32 s12, s17;
	s16 =	sshrl.u32 s16, $0x3  }
0x12: {  	[tilespmem:s15+$0x0 ss:$0x81] =	vst.msk $0xffff, v1;
	s13 =	sor.u32 $0x400, s13;
	s12 =	sadd.s32 s16, s12  }
0x13: {  	[hbm4b:s12+s13] =	stream.strided.scatter [tilespmem:s14], [sflag:$0x2], $0x2000, s8, s13, $0x20;
	[tilespmem:$0x8080] =	vst v63  }
.LBB1_5:
0x14: {  	s14 =	sadd.s32 $0x1, s9  }
0x15: {  	s12 =	sadd.s32 $0x1000, s10;
	s16 =	smov.u32 s10;
	p2 =	sgt.s32 s14, $0xC7  }
0x16: {  	s16 =	smov.u32 @p2 s12  }
0x17: {  	s14 =	simm.s32 @p2 $0x0;
	p2 =	sgt.s32 s16, $0xFFF  }
0x18: {  	s16 =	smov.u32 @p2 s2;
	p2 =	sne.s32 s11, s7  }
.Ltmp1:
0x19: {  	p1 =	slt.u32 s11, $0x2;
	(pc) =	sbr.rel @!p2 .LBB1_6-.Ltmp1, $4  }
0x1a: {  	s15 =	simm.s32 @!p1 $0x2  }
0x1b: {  	s13 =	smov.u32 s10;
	p0 =	por !p0, !p0;
	_ =	swait.ge @!p1 [sflag:s15], $0x2000  }
0x1c: {  	s12 =	smov.u32 s9;
	[sflag:s15] =	ssyncset.done @!p1 $0x0;
	s9 =	smov.u32 s14  }
0x1d: {  	s11 =	sadd.s32 $0x1, s11;
	[sflag:s15] =	ssyncadd.s32 @!p1 $0xFFFFE000;
	s10 =	smov.u32 s16  }
.LBB1_1:
0x1e: {  	p1 =	sge.u32 s11, s5  }
0x1f: {  	s14 =	sand.u32 @!p1 $0x1FFFFFF, s9  }
0x20: {  	s15 =	smulhi.u32 @!p1 $0x147AE15, s14;
	_ =	sdelay $0x1  }
0x21: {  	s15 =	smul.u32 @!p1 $0xC8, s15  }
0x22: {  	s16 =	sxor.u32 @!p1 $0xFFFFFFFF, s11;
	s17 =	smul.u32 @!p1 $0xC80, s10  }
0x23: {  	s31 =	sadd.s32 $0xFFFFFFFF, s11;
	s16 =	sshll.u32 @!p1 s16, $0xD;
	s14 =	ssub.s32 @!p1 s14, s15  }
0x24: {  	s15 =	sand.u32 @!p1 $0x2000, s16;
	s16 =	sadd.s32 @!p1 s6, s17;
	s14 =	sshll.u32 @!p1 s14, $0x4  }
0x25: {  	s17 =	simm.s32 @!p1 $0x6400;
	s14 =	sadd.s32 @!p1 s14, s16;
	s16 =	simm.s32 @!p1 $0x40  }
0x26: {  	[tilespmem:s15], [sflag:$0x1] =	stream.strided.gather @!p1 [hbm4b:s14+s16], $0x2000, s17, s16, $0x38;
	[tilespmem:$0x8080] =	vst v63  }
0x27: {  	p1 =	sge.u32 s31, s5  }
.Ltmp2:
0x28: {  	_ = 	snop;
	(pc) =	sbr.rel @p1 .LBB1_5-.Ltmp2, $1  }
0x29: {  	_ =	sdelay $0x3  }
0x2a: {  	s14 =	simm.s32 $0x1  }
0x2b: {  	_ =	swait.ge [sflag:s4], $0x2000;
	s14 =	simm.s32 @!p0 $0x0  }
0x2c: {  	[sflag:s4] =	ssyncset.done $0x0;
	s15 =	sshll.u32 s14, $0xD  }
0x2d: {  	[sflag:s4] =	ssyncadd.s32 $0xFFFFE000;
	s18 =	sor.u32 $0x20, s15  }
0x2e: {  	s14 =	smul.u32 $0x8100, s14;
	v3 =	vld [tilespmem:s18+$0x10]  }
0x2f: {  	s30 =	sand.u32 $0x1, s11;
	v2 =	vld [tilespmem:s18+$0xFFFFFFF0]  }
0x30: {  	s15 =	smul.u32 $0x8100, s30;
	s14 =	sshrl.u32 s14, $0x2;
	v0 =	vld [tilespmem:s18+$0x0]  }
0x31: {  	v1 =	vld [tilespmem:s18+$0xFFFFFFE0];
	s16 =	sor.u32 $0x4000, s14  }
0x32: {  	s31 =	sshrl.u32 s15, $0x2;
	s15 =	sadd.s32 $0x0, s16  }
0x33: {  	s17 =	simm.s32 $0x4;
	s18 =	sadd.s32 $0x40, s18;
	s14 =	sor.u32 $0x4000, s31;
	[tilespmem:s15+$0x1830 ss:$0x81] =	vst.msk $0xffff, v3  }
.LBB1_3:
0x34: {  	v3 =	vld [tilespmem:s18+$0x10];
	p1 =	sne.s32 s17, $0x1FC;
	[tilespmem:s15+$0x810 ss:$0x81] =	vst.msk $0xffff, v2;
	s19 =	smov.u32 s17;
	s17 =	sadd.s32 $0x4, s17  }
.Ltmp3:
0x35: {  	v2 =	vld [tilespmem:s18+$0xFFFFFFF0];
	[tilespmem:s15+$0x1020 ss:$0x81] =	vst.msk $0xffff, v0;
	(pc) =	sbr.rel @p1 .LBB1_3-.Ltmp3, $4  }
0x36: {  	v0 =	vld [tilespmem:s18+$0x0];
	[tilespmem:s15+$0x0 ss:$0x81] =	vst.msk $0xffff, v1  }
0x37: {  	s15 =	sshra.s32 s19, $0x2;
	v1 =	vld [tilespmem:s18+$0xFFFFFFE0]  }
0x38: {  	s15 =	sadd.s32 s15, s16  }
0x39: {  	s18 =	sadd.s32 $0x40, s18;
	[tilespmem:s15+$0x1830 ss:$0x81] =	vst.msk $0xffff, v3  }
.Ltmp4:
0x3a: {  	_ = 	snop;
	(pc) =	sbr.rel .LBB1_4-.Ltmp4, $1  }
0x3b: {  	_ =	sdelay $0x3  }
.LBB1_6:
0x3c: {  	_ =	sfence.sel $0x180000  }
0x3d: {  	s2 =	simm.s32 $0x1;
	[bflag:$0x0] =	sbarrier.arrive $0xFFFF  }
0x3e: {  	s31 =	simm.s32 $0x2;
	[sflag:s2] =	ssyncpa.u1 $0x1  }
0x3f: {  	[sflag:s31] =	ssyncpa.u1 $0x1  }
0x40: {  	p0 =	sne.s32 s0, $0x0;
	_ =	strace $0x9000004A  }
0x41: {  	s0 =	sadd.s32 @!p0 $0x100000, s1;
	[bflag:$0x2] =	sbarrier.arrive $0xFFFF  }
0x42: {  	[sflag:s0] =	ssyncadd.tile.s32 @!p0 $0x1;
	_ =	shalt  }
.Lfunc_end1:
_tile_overlayer_lowered:
.L_overlay_start_2:
0x43: {  	(tag) =	ssettag $0x2  }
0x44: {  	s0 =	rddreg [dreg:$0x0];
	s2 =	stileid.u32  }
0x45: {  	s1 =	rddreg [dreg:$0x1];
	p0 =	sne.s32 s2, $0x0  }
0x46: {  	s3 =	rddreg [dreg:$0x2];
	[bflag:$0x3] =	sbarrier.arrive $0xFFFF;
	s2 =	simm.s32 @!p0 $0x1C01  }
0x47: {  	[timem:s3], [sflag:s2] =	dma.local @!p0 [hbm:s0], s1  }
0x48: {  	s0 =	simm.s32 @!p0 $0x1  }
0x49: {  	_ =	swait.ge @!p0 [sflag:s0], s1  }
0x4a: {  	s1 =	ssub.s32 @!p0 $0x0, s1;
	[sflag:s0] =	ssyncset.done @!p0 $0x0  }
0x4b: {  	[sflag:s0] =	ssyncadd.s32 @!p0 s1  }
0x4c: {  	[bflag:$0x3] =	sbarrier.arrive $0xFFFF  }
0x4d: {  	_ =	shalt  }

</sc_bundles>
